<compile_context>
chip_gen: v7x
topology: tpu7x:2x2x1
jax: 0.10.2.dev20260603
libtpu: 0.0.44.dev20260713+nightly
codegen_flags: <defaults>
</compile_context>

<pallas_src>
import functools

import jax
import jax.numpy as jnp
from jax import lax
from jax.experimental import pallas as pl
from jax.experimental.pallas import tpu as pltpu
from jax.experimental.pallas import tpu_sc as plsc

N_CHANNELS = 4096
N_ENERGIES = 8192

NC = 2
NS = 16
NW = NC * NS
L = 16

SC_ROWS = 512
TC_ROWS = N_CHANNELS - SC_ROWS
BC = 256
RPW = SC_ROWS // NW
R = 4
NG = RPW // R
NCHUNK = N_ENERGIES // L


def _flux_tc_kernel(params_ref, energies_ref, flux_ref):
    alpha = params_ref[0, 0]
    norm = params_ref[0, 1]
    oma = 1.0 - alpha
    e_lo = energies_ref[0, :]
    e_hi = energies_ref[1, :]
    flux_ref[0, :] = (norm / oma) * (
        jnp.exp(oma * jnp.log(e_hi)) - jnp.exp(oma * jnp.log(e_lo))
    )


def _compute_flux(params2d, energies):
    return pl.pallas_call(
        _flux_tc_kernel,
        in_specs=[
            pl.BlockSpec(memory_space=pltpu.SMEM),
            pl.BlockSpec((2, N_ENERGIES), lambda: (0, 0)),
        ],
        out_specs=pl.BlockSpec((1, N_ENERGIES), lambda: (0, 0)),
        out_shape=jax.ShapeDtypeStruct((1, N_ENERGIES), jnp.float32),
    )(params2d, energies)


def _sc_body(flux_hbm, tm_hbm, out_hbm, flux_v, buf_v, tbuf_v, out_v, sem0, sem1):
    wid = lax.axis_index("s") * NC + lax.axis_index("c")
    row0 = wid * RPW
    sems = (sem0, sem1)

    pltpu.sync_copy(flux_hbm, flux_v)
    pltpu.async_copy(tm_hbm.at[pl.ds(row0, R), :], buf_v.at[0], sem0)
    pltpu.async_copy(tm_hbm.at[pl.ds(row0 + R, R), :], buf_v.at[1], sem1)

    lane = lax.iota(jnp.int32, L)
    zero = jnp.zeros((L,), jnp.float32)

    def tile_loop(t, _):
        for sub in range(L // R):
            b = sub % 2
            g = t * (L // R) + sub
            pltpu.make_async_copy(
                tm_hbm.at[pl.ds(row0, R), :], buf_v.at[b], sems[b]
            ).wait()

            def chunk(i, accs, b=b):
                off = i * L
                fl = flux_v[pl.ds(off, L)]
                return tuple(
                    accs[r] + buf_v[b, r, pl.ds(off, L)] * fl for r in range(R)
                )

            accs = lax.fori_loop(0, NCHUNK, chunk, (zero,) * R, unroll=4)
            for r in range(R):
                tbuf_v[sub * R + r, :] = accs[r]

            @pl.when(g + 2 < NG)
            def _next(b=b, g=g):
                pltpu.async_copy(
                    tm_hbm.at[pl.ds(row0 + (g + 2) * R, R), :],
                    buf_v.at[b],
                    sems[b],
                )

        tot = zero
        for k in range(L):
            tot = tot + plsc.load_gather(tbuf_v, [lane, lane * 0 + k])
        out_v[pl.ds(t * L, L)] = jnp.maximum(tot, 1e-6)
        return 0

    lax.fori_loop(0, RPW // L, tile_loop, 0)

    pltpu.sync_copy(out_v, out_hbm.at[pl.ds(row0, RPW)])


_sc_matvec = functools.partial(
    pl.kernel,
    out_type=jax.ShapeDtypeStruct((SC_ROWS,), jnp.float32),
    mesh=plsc.VectorSubcoreMesh(core_axis_name="c", subcore_axis_name="s"),
    scratch_types=[
        pltpu.VMEM((N_ENERGIES,), jnp.float32),
        pltpu.VMEM((2, R, N_ENERGIES), jnp.float32),
        pltpu.VMEM((L, L), jnp.float32),
        pltpu.VMEM((RPW,), jnp.float32),
        pltpu.SemaphoreType.DMA,
        pltpu.SemaphoreType.DMA,
    ],
    compiler_params=pltpu.CompilerParams(needs_layout_passes=False),
    cost_estimate=pl.CostEstimate(
        flops=2 * SC_ROWS * N_ENERGIES,
        transcendentals=0,
        bytes_accessed=SC_ROWS * N_ENERGIES * 4,
    ),
)(_sc_body)


def _tc_matvec_kernel(flux_ref, tm_ref, out_ref):
    flux = flux_ref[0, :].reshape(N_ENERGIES, 1)
    res = jnp.dot(tm_ref[...], flux, preferred_element_type=jnp.float32)
    out_ref[...] = jnp.maximum(res, 1e-6)


def _tc_matvec(flux2d, transfer_matrix):
    grid = TC_ROWS // BC
    off = SC_ROWS // BC
    return pl.pallas_call(
        _tc_matvec_kernel,
        grid=(grid,),
        in_specs=[
            pl.BlockSpec((1, N_ENERGIES), lambda i: (0, 0)),
            pl.BlockSpec((BC, N_ENERGIES), lambda i: (off + i, 0)),
        ],
        out_specs=pl.BlockSpec((BC, 1), lambda i: (i, 0)),
        out_shape=jax.ShapeDtypeStruct((TC_ROWS, 1), jnp.float32),
    )(flux2d, transfer_matrix)


def kernel(parameters, energies, transfer_matrix):
    params2d = parameters.reshape(1, 2)
    flux2d = _compute_flux(params2d, energies)
    sc_out = _sc_matvec(flux2d.reshape(N_ENERGIES), transfer_matrix)
    tc_out = _tc_matvec(flux2d, transfer_matrix).reshape(TC_ROWS)
    return jnp.concatenate([sc_out, tc_out])

# --- scband reference (transcript-rebuilt; emitter-appended) ---
"""Pipeline reference for scband-count-forward-model-27522150433083 (READ-ONLY COPY).

The authoritative reference and input builder live on the scoring server;
editing this copy changes nothing except your own understanding.
"""

import jax, jax.numpy as jnp
import numpy as np

N_CHANNELS = 4096
N_ENERGIES = 8192


def photon_flux(parameters, e_low, e_high):
    # Power-law spectral model integrated over energy bins:
    # norm * \int_{e_low}^{e_high} E^{-alpha} dE
    alpha = parameters[0]
    norm = parameters[1]
    one_minus_alpha = 1.0 - alpha
    return norm * (e_high ** one_minus_alpha - e_low ** one_minus_alpha) / one_minus_alpha


def setup_inputs(seed: int = 0) -> dict:
    key = jax.random.key(seed)
    k1, k2 = jax.random.split(key)
    # spectral parameters (photon index alpha, normalization)
    parameters = jax.random.uniform(k1, (2,), dtype=jnp.float32, minval=0.1, maxval=0.9)
    # energy bin edges (keV), log-spaced like a real instrument response
    edges = jnp.geomspace(0.1, 12.0, N_ENERGIES + 1).astype(jnp.float32)
    energies = jnp.stack([edges[:-1], edges[1:]], axis=0)  # [2, n_energies]
    # dense transfer matrix (RMF folded with ARF); nonnegative
    transfer_matrix = jax.random.uniform(k2, (N_CHANNELS, N_ENERGIES), dtype=jnp.float32) / N_ENERGIES
    return {"parameters": parameters, "energies": energies, "transfer_matrix": transfer_matrix}


def reference(parameters, energies, transfer_matrix):
    # CountForwardModel.__call__: transfer_matrix @ model.photon_flux(parameters, *energies)
    expected_counts = transfer_matrix @ photon_flux(parameters, energies[0], energies[1])
    return jnp.clip(expected_counts, 1e-06)

if __name__ == "__main__":
    import jax
    _d = setup_inputs()
    print(jax.jit(kernel)(*tuple(_d.values())))

</pallas_src>

<mosaic_0001>
#map = affine_map<(d0, d1) -> (0)>
#map1 = affine_map<(d0, d1) -> (0, 0)>
module attributes {stable_mosaic.version = 14 : i64} {
  func.func @_sc_body(%arg0: i32, %arg1: i32, %arg2: memref<8192xf32, #tpu.memory_space<hbm>>, %arg3: memref<4096x8192xf32, #tpu.memory_space<hbm>>, %arg4: memref<512xf32, #tpu.memory_space<hbm>>, %arg5: memref<8192xf32, #tpu.memory_space<vmem>>, %arg6: memref<2x4x8192xf32, #tpu.memory_space<vmem>>, %arg7: memref<16x16xf32, #tpu.memory_space<vmem>>, %arg8: memref<16xf32, #tpu.memory_space<vmem>>, %arg9: memref<!tpu.dma_semaphore, #tpu.memory_space<semaphore_mem>>, %arg10: memref<!tpu.dma_semaphore, #tpu.memory_space<semaphore_mem>>) attributes {dimension_semantics = [#tpu.dimension_semantics<core_parallel>, #tpu.dimension_semantics<subcore_parallel>], iteration_bounds = array<i64: 2, 16>, scalar_prefetch = 0 : i64, scratch_operands = 6 : i64, tpu.core_type = #tpu.core_type<sc_vector_subcore>, window_params = [{transform_indices = #map}, {transform_indices = #map1}, {transform_indices = #map}]} {
    %mul3A = arith.constant 2 : i32
    %mul3A_0 = arith.muli %arg1, %mul3A : i32
    %add3A = arith.addi %mul3A_0, %arg0 : i32
    %mul3A_1 = arith.constant 16 : i32
    %mul3A_2 = arith.muli %add3A, %mul3A_1 : i32
    "tpu.region"() ({
      %run_scoped3A = tpu.sem_alloc : memref<!tpu.dma_semaphore, #tpu.memory_space<semaphore_mem>>
      tpu.enqueue_dma source(%arg2 : memref<8192xf32, #tpu.memory_space<hbm>>) target(%arg5 : memref<8192xf32, #tpu.memory_space<vmem>>) target_semaphore(%run_scoped3A : memref<!tpu.dma_semaphore, #tpu.memory_space<semaphore_mem>>)
      tpu.wait_dma2 semaphore(%run_scoped3A : memref<!tpu.dma_semaphore, #tpu.memory_space<semaphore_mem>>) src(%arg2 : memref<8192xf32, #tpu.memory_space<hbm>>) dst(%arg5 : memref<8192xf32, #tpu.memory_space<vmem>>)
      tpu.yield
    }) : () -> ()
    %dma_start3A = arith.constant 0 : i32
    %dma_start3A_3 = arith.constant 0 : i32
    %dma_start3A_4 = arith.constant 0 : i32
    %dma_start3A_5 = tpu.memref_slice %arg6[%dma_start3A, %dma_start3A_3, %dma_start3A_4] : memref<2x4x8192xf32, #tpu.memory_space<vmem>> -> memref<1x4x8192xf32, #tpu.memory_space<vmem>>
    %dma_start3A_6 = tpu.memref_squeeze %dma_start3A_5 : memref<1x4x8192xf32, #tpu.memory_space<vmem>> -> memref<4x8192xf32, #tpu.memory_space<vmem>>
    %dma_start3A_7 = arith.constant 0 : i32
    %dma_start3A_8 = tpu.memref_slice %arg3[%mul3A_2, %dma_start3A_7] : memref<4096x8192xf32, #tpu.memory_space<hbm>> -> memref<4x8192xf32, #tpu.memory_space<hbm>>
    %dma_start3A_9 = arith.constant 0 : i32
    %dma_start3A_10 = arith.constant 0 : i32
    %dma_start3A_11 = tpu.memref_slice %arg6[%dma_start3A, %dma_start3A_9, %dma_start3A_10] : memref<2x4x8192xf32, #tpu.memory_space<vmem>> -> memref<1x4x8192xf32, #tpu.memory_space<vmem>>
    %dma_start3A_12 = tpu.memref_squeeze %dma_start3A_11 : memref<1x4x8192xf32, #tpu.memory_space<vmem>> -> memref<4x8192xf32, #tpu.memory_space<vmem>>
    %dma_start3A_13 = arith.constant 0 : i32
    %dma_start3A_14 = tpu.memref_slice %arg3[%mul3A_2, %dma_start3A_13] : memref<4096x8192xf32, #tpu.memory_space<hbm>> -> memref<4x8192xf32, #tpu.memory_space<hbm>>
    tpu.enqueue_dma source(%dma_start3A_14 : memref<4x8192xf32, #tpu.memory_space<hbm>>) target(%dma_start3A_12 : memref<4x8192xf32, #tpu.memory_space<vmem>>) target_semaphore(%arg9 : memref<!tpu.dma_semaphore, #tpu.memory_space<semaphore_mem>>)
    %add3A_15 = arith.constant 4 : i32
    %add3A_16 = arith.addi %mul3A_2, %add3A_15 : i32
    %dma_start3A_17 = arith.constant 1 : i32
    %dma_start3A_18 = arith.constant 0 : i32
    %dma_start3A_19 = arith.constant 0 : i32
    %dma_start3A_20 = tpu.memref_slice %arg6[%dma_start3A_17, %dma_start3A_18, %dma_start3A_19] : memref<2x4x8192xf32, #tpu.memory_space<vmem>> -> memref<1x4x8192xf32, #tpu.memory_space<vmem>>
    %dma_start3A_21 = tpu.memref_squeeze %dma_start3A_20 : memref<1x4x8192xf32, #tpu.memory_space<vmem>> -> memref<4x8192xf32, #tpu.memory_space<vmem>>
    %dma_start3A_22 = arith.constant 0 : i32
    %dma_start3A_23 = tpu.memref_slice %arg3[%add3A_16, %dma_start3A_22] : memref<4096x8192xf32, #tpu.memory_space<hbm>> -> memref<4x8192xf32, #tpu.memory_space<hbm>>
    %dma_start3A_24 = arith.constant 0 : i32
    %dma_start3A_25 = arith.constant 0 : i32
    %dma_start3A_26 = tpu.memref_slice %arg6[%dma_start3A_17, %dma_start3A_24, %dma_start3A_25] : memref<2x4x8192xf32, #tpu.memory_space<vmem>> -> memref<1x4x8192xf32, #tpu.memory_space<vmem>>
    %dma_start3A_27 = tpu.memref_squeeze %dma_start3A_26 : memref<1x4x8192xf32, #tpu.memory_space<vmem>> -> memref<4x8192xf32, #tpu.memory_space<vmem>>
    %dma_start3A_28 = arith.constant 0 : i32
    %dma_start3A_29 = tpu.memref_slice %arg3[%add3A_16, %dma_start3A_28] : memref<4096x8192xf32, #tpu.memory_space<hbm>> -> memref<4x8192xf32, #tpu.memory_space<hbm>>
    tpu.enqueue_dma source(%dma_start3A_29 : memref<4x8192xf32, #tpu.memory_space<hbm>>) target(%dma_start3A_27 : memref<4x8192xf32, #tpu.memory_space<vmem>>) target_semaphore(%arg10 : memref<!tpu.dma_semaphore, #tpu.memory_space<semaphore_mem>>)
    %iota3A = tpu.iota {dimensions = array<i32: 0>} : vector<16xi32>
    %broadcast_in_dim3A = arith.constant 0.000000e+00 : f32
    %broadcast_in_dim3A_30 = vector.broadcast %broadcast_in_dim3A : f32 to vector<16xf32>
    %scan3A = arith.constant 0 : i32
    %scan3A_31 = arith.constant 0 : i32
    %mul3A_32 = arith.constant 4 : i32
    %mul3A_33 = arith.muli %scan3A_31, %mul3A_32 : i32
    %add3A_34 = arith.constant 0 : i32
    %add3A_35 = arith.addi %mul3A_33, %add3A_34 : i32
    %dma_wait3A = arith.constant 0 : i32
    %dma_wait3A_36 = arith.constant 0 : i32
    %dma_wait3A_37 = arith.constant 0 : i32
    %dma_wait3A_38 = tpu.memref_slice %arg6[%dma_wait3A, %dma_wait3A_36, %dma_wait3A_37] : memref<2x4x8192xf32, #tpu.memory_space<vmem>> -> memref<1x4x8192xf32, #tpu.memory_space<vmem>>
    %dma_wait3A_39 = tpu.memref_squeeze %dma_wait3A_38 : memref<1x4x8192xf32, #tpu.memory_space<vmem>> -> memref<4x8192xf32, #tpu.memory_space<vmem>>
    %dma_wait3A_40 = arith.constant 0 : i32
    %dma_wait3A_41 = tpu.memref_slice %arg3[%mul3A_2, %dma_wait3A_40] : memref<4096x8192xf32, #tpu.memory_space<hbm>> -> memref<4x8192xf32, #tpu.memory_space<hbm>>
    %dma_wait3A_42 = arith.constant 0 : i32
    %dma_wait3A_43 = arith.constant 0 : i32
    %dma_wait3A_44 = tpu.memref_slice %arg6[%dma_wait3A, %dma_wait3A_42, %dma_wait3A_43] : memref<2x4x8192xf32, #tpu.memory_space<vmem>> -> memref<1x4x8192xf32, #tpu.memory_space<vmem>>
    %dma_wait3A_45 = tpu.memref_squeeze %dma_wait3A_44 : memref<1x4x8192xf32, #tpu.memory_space<vmem>> -> memref<4x8192xf32, #tpu.memory_space<vmem>>
    %dma_wait3A_46 = arith.constant 0 : i32
    %dma_wait3A_47 = tpu.memref_slice %arg3[%mul3A_2, %dma_wait3A_46] : memref<4096x8192xf32, #tpu.memory_space<hbm>> -> memref<4x8192xf32, #tpu.memory_space<hbm>>
    tpu.wait_dma2 semaphore(%arg9 : memref<!tpu.dma_semaphore, #tpu.memory_space<semaphore_mem>>) src(%dma_wait3A_47 : memref<4x8192xf32, #tpu.memory_space<hbm>>) dst(%dma_wait3A_45 : memref<4x8192xf32, #tpu.memory_space<vmem>>)
    %scan3A_48 = arith.constant 0 : i32
    %scan3A_49 = arith.constant 512 : i32
    %scan3A_50 = arith.addi %scan3A_48, %scan3A_49 : i32
    %scan3A_51 = arith.constant 4 : i32
    %scan3A_52:4 = scf.for %scan3A_346 = %scan3A_48 to %scan3A_50 step %scan3A_51 iter_args(%scan3A_347 = %broadcast_in_dim3A_30, %scan3A_348 = %broadcast_in_dim3A_30, %scan3A_349 = %broadcast_in_dim3A_30, %scan3A_350 = %broadcast_in_dim3A_30) -> (vector<16xf32>, vector<16xf32>, vector<16xf32>, vector<16xf32>)  : i32 {
      %mul3A_351 = arith.constant 16 : i32
      %mul3A_352 = arith.muli %scan3A_346, %mul3A_351 : i32
      %get3A = arith.index_cast %mul3A_352 : i32 to index
      %get3A_353 = tpu.vector_load %arg5[%get3A] {strides = array<i32>} : memref<8192xf32, #tpu.memory_space<vmem>>, vector<16xf32>,
      %get3A_354 = arith.constant 0 : i32
      %get3A_355 = arith.constant 0 : i32
      %get3A_356 = arith.index_cast %get3A_354 : i32 to index
      %get3A_357 = arith.index_cast %get3A_355 : i32 to index
      %get3A_358 = arith.index_cast %mul3A_352 : i32 to index
      %get3A_359 = tpu.vector_load %arg6[%get3A_356, %get3A_357, %get3A_358] {strides = array<i32>} : memref<2x4x8192xf32, #tpu.memory_space<vmem>>, vector<16xf32>,
      %mul3A_360 = arith.mulf %get3A_359, %get3A_353 : vector<16xf32>
      %add3A_361 = arith.addf %scan3A_347, %mul3A_360 : vector<16xf32>
      %get3A_362 = arith.constant 0 : i32
      %get3A_363 = arith.constant 1 : i32
      %get3A_364 = arith.index_cast %get3A_362 : i32 to index
      %get3A_365 = arith.index_cast %get3A_363 : i32 to index
      %get3A_366 = arith.index_cast %mul3A_352 : i32 to index
      %get3A_367 = tpu.vector_load %arg6[%get3A_364, %get3A_365, %get3A_366] {strides = array<i32>} : memref<2x4x8192xf32, #tpu.memory_space<vmem>>, vector<16xf32>,
      %mul3A_368 = arith.mulf %get3A_367, %get3A_353 : vector<16xf32>
      %add3A_369 = arith.addf %scan3A_348, %mul3A_368 : vector<16xf32>
      %get3A_370 = arith.constant 0 : i32
      %get3A_371 = arith.constant 2 : i32
      %get3A_372 = arith.index_cast %get3A_370 : i32 to index
      %get3A_373 = arith.index_cast %get3A_371 : i32 to index
      %get3A_374 = arith.index_cast %mul3A_352 : i32 to index
      %get3A_375 = tpu.vector_load %arg6[%get3A_372, %get3A_373, %get3A_374] {strides = array<i32>} : memref<2x4x8192xf32, #tpu.memory_space<vmem>>, vector<16xf32>,
      %mul3A_376 = arith.mulf %get3A_375, %get3A_353 : vector<16xf32>
      %add3A_377 = arith.addf %scan3A_349, %mul3A_376 : vector<16xf32>
      %get3A_378 = arith.constant 0 : i32
      %get3A_379 = arith.constant 3 : i32
      %get3A_380 = arith.index_cast %get3A_378 : i32 to index
      %get3A_381 = arith.index_cast %get3A_379 : i32 to index
      %get3A_382 = arith.index_cast %mul3A_352 : i32 to index
      %get3A_383 = tpu.vector_load %arg6[%get3A_380, %get3A_381, %get3A_382] {strides = array<i32>} : memref<2x4x8192xf32, #tpu.memory_space<vmem>>, vector<16xf32>,
      %mul3A_384 = arith.mulf %get3A_383, %get3A_353 : vector<16xf32>
      %add3A_385 = arith.addf %scan3A_350, %mul3A_384 : vector<16xf32>
      %scan3A_386 = arith.constant 1 : i32
      %scan3A_387 = arith.addi %scan3A_346, %scan3A_386 : i32
      %mul3A_388 = arith.constant 16 : i32
      %mul3A_389 = arith.muli %scan3A_387, %mul3A_388 : i32
      %get3A_390 = arith.index_cast %mul3A_389 : i32 to index
      %get3A_391 = tpu.vector_load %arg5[%get3A_390] {strides = array<i32>} : memref<8192xf32, #tpu.memory_space<vmem>>, vector<16xf32>,
      %get3A_392 = arith.constant 0 : i32
      %get3A_393 = arith.constant 0 : i32
      %get3A_394 = arith.index_cast %get3A_392 : i32 to index
      %get3A_395 = arith.index_cast %get3A_393 : i32 to index
      %get3A_396 = arith.index_cast %mul3A_389 : i32 to index
      %get3A_397 = tpu.vector_load %arg6[%get3A_394, %get3A_395, %get3A_396] {strides = array<i32>} : memref<2x4x8192xf32, #tpu.memory_space<vmem>>, vector<16xf32>,
      %mul3A_398 = arith.mulf %get3A_397, %get3A_391 : vector<16xf32>
      %add3A_399 = arith.addf %add3A_361, %mul3A_398 : vector<16xf32>
      %get3A_400 = arith.constant 0 : i32
      %get3A_401 = arith.constant 1 : i32
      %get3A_402 = arith.index_cast %get3A_400 : i32 to index
      %get3A_403 = arith.index_cast %get3A_401 : i32 to index
      %get3A_404 = arith.index_cast %mul3A_389 : i32 to index
      %get3A_405 = tpu.vector_load %arg6[%get3A_402, %get3A_403, %get3A_404] {strides = array<i32>} : memref<2x4x8192xf32, #tpu.memory_space<vmem>>, vector<16xf32>,
      %mul3A_406 = arith.mulf %get3A_405, %get3A_391 : vector<16xf32>
      %add3A_407 = arith.addf %add3A_369, %mul3A_406 : vector<16xf32>
      %get3A_408 = arith.constant 0 : i32
      %get3A_409 = arith.constant 2 : i32
      %get3A_410 = arith.index_cast %get3A_408 : i32 to index
      %get3A_411 = arith.index_cast %get3A_409 : i32 to index
      %get3A_412 = arith.index_cast %mul3A_389 : i32 to index
      %get3A_413 = tpu.vector_load %arg6[%get3A_410, %get3A_411, %get3A_412] {strides = array<i32>} : memref<2x4x8192xf32, #tpu.memory_space<vmem>>, vector<16xf32>,
      %mul3A_414 = arith.mulf %get3A_413, %get3A_391 : vector<16xf32>
      %add3A_415 = arith.addf %add3A_377, %mul3A_414 : vector<16xf32>
      %get3A_416 = arith.constant 0 : i32
      %get3A_417 = arith.constant 3 : i32
      %get3A_418 = arith.index_cast %get3A_416 : i32 to index
      %get3A_419 = arith.index_cast %get3A_417 : i32 to index
      %get3A_420 = arith.index_cast %mul3A_389 : i32 to index
      %get3A_421 = tpu.vector_load %arg6[%get3A_418, %get3A_419, %get3A_420] {strides = array<i32>} : memref<2x4x8192xf32, #tpu.memory_space<vmem>>, vector<16xf32>,
      %mul3A_422 = arith.mulf %get3A_421, %get3A_391 : vector<16xf32>
      %add3A_423 = arith.addf %add3A_385, %mul3A_422 : vector<16xf32>
      %scan3A_424 = arith.constant 2 : i32
      %scan3A_425 = arith.addi %scan3A_346, %scan3A_424 : i32
      %mul3A_426 = arith.constant 16 : i32
      %mul3A_427 = arith.muli %scan3A_425, %mul3A_426 : i32
      %get3A_428 = arith.index_cast %mul3A_427 : i32 to index
      %get3A_429 = tpu.vector_load %arg5[%get3A_428] {strides = array<i32>} : memref<8192xf32, #tpu.memory_space<vmem>>, vector<16xf32>,
      %get3A_430 = arith.constant 0 : i32
      %get3A_431 = arith.constant 0 : i32
      %get3A_432 = arith.index_cast %get3A_430 : i32 to index
      %get3A_433 = arith.index_cast %get3A_431 : i32 to index
      %get3A_434 = arith.index_cast %mul3A_427 : i32 to index
      %get3A_435 = tpu.vector_load %arg6[%get3A_432, %get3A_433, %get3A_434] {strides = array<i32>} : memref<2x4x8192xf32, #tpu.memory_space<vmem>>, vector<16xf32>,
      %mul3A_436 = arith.mulf %get3A_435, %get3A_429 : vector<16xf32>
      %add3A_437 = arith.addf %add3A_399, %mul3A_436 : vector<16xf32>
      %get3A_438 = arith.constant 0 : i32
      %get3A_439 = arith.constant 1 : i32
      %get3A_440 = arith.index_cast %get3A_438 : i32 to index
      %get3A_441 = arith.index_cast %get3A_439 : i32 to index
      %get3A_442 = arith.index_cast %mul3A_427 : i32 to index
      %get3A_443 = tpu.vector_load %arg6[%get3A_440, %get3A_441, %get3A_442] {strides = array<i32>} : memref<2x4x8192xf32, #tpu.memory_space<vmem>>, vector<16xf32>,
      %mul3A_444 = arith.mulf %get3A_443, %get3A_429 : vector<16xf32>
      %add3A_445 = arith.addf %add3A_407, %mul3A_444 : vector<16xf32>
      %get3A_446 = arith.constant 0 : i32
      %get3A_447 = arith.constant 2 : i32
      %get3A_448 = arith.index_cast %get3A_446 : i32 to index
      %get3A_449 = arith.index_cast %get3A_447 : i32 to index
      %get3A_450 = arith.index_cast %mul3A_427 : i32 to index
      %get3A_451 = tpu.vector_load %arg6[%get3A_448, %get3A_449, %get3A_450] {strides = array<i32>} : memref<2x4x8192xf32, #tpu.memory_space<vmem>>, vector<16xf32>,
      %mul3A_452 = arith.mulf %get3A_451, %get3A_429 : vector<16xf32>
      %add3A_453 = arith.addf %add3A_415, %mul3A_452 : vector<16xf32>
      %get3A_454 = arith.constant 0 : i32
      %get3A_455 = arith.constant 3 : i32
      %get3A_456 = arith.index_cast %get3A_454 : i32 to index
      %get3A_457 = arith.index_cast %get3A_455 : i32 to index
      %get3A_458 = arith.index_cast %mul3A_427 : i32 to index
      %get3A_459 = tpu.vector_load %arg6[%get3A_456, %get3A_457, %get3A_458] {strides = array<i32>} : memref<2x4x8192xf32, #tpu.memory_space<vmem>>, vector<16xf32>,
      %mul3A_460 = arith.mulf %get3A_459, %get3A_429 : vector<16xf32>
      %add3A_461 = arith.addf %add3A_423, %mul3A_460 : vector<16xf32>
      %scan3A_462 = arith.constant 3 : i32
      %scan3A_463 = arith.addi %scan3A_346, %scan3A_462 : i32
      %mul3A_464 = arith.constant 16 : i32
      %mul3A_465 = arith.muli %scan3A_463, %mul3A_464 : i32
      %get3A_466 = arith.index_cast %mul3A_465 : i32 to index
      %get3A_467 = tpu.vector_load %arg5[%get3A_466] {strides = array<i32>} : memref<8192xf32, #tpu.memory_space<vmem>>, vector<16xf32>,
      %get3A_468 = arith.constant 0 : i32
      %get3A_469 = arith.constant 0 : i32
      %get3A_470 = arith.index_cast %get3A_468 : i32 to index
      %get3A_471 = arith.index_cast %get3A_469 : i32 to index
      %get3A_472 = arith.index_cast %mul3A_465 : i32 to index
      %get3A_473 = tpu.vector_load %arg6[%get3A_470, %get3A_471, %get3A_472] {strides = array<i32>} : memref<2x4x8192xf32, #tpu.memory_space<vmem>>, vector<16xf32>,
      %mul3A_474 = arith.mulf %get3A_473, %get3A_467 : vector<16xf32>
      %add3A_475 = arith.addf %add3A_437, %mul3A_474 : vector<16xf32>
      %get3A_476 = arith.constant 0 : i32
      %get3A_477 = arith.constant 1 : i32
      %get3A_478 = arith.index_cast %get3A_476 : i32 to index
      %get3A_479 = arith.index_cast %get3A_477 : i32 to index
      %get3A_480 = arith.index_cast %mul3A_465 : i32 to index
      %get3A_481 = tpu.vector_load %arg6[%get3A_478, %get3A_479, %get3A_480] {strides = array<i32>} : memref<2x4x8192xf32, #tpu.memory_space<vmem>>, vector<16xf32>,
      %mul3A_482 = arith.mulf %get3A_481, %get3A_467 : vector<16xf32>
      %add3A_483 = arith.addf %add3A_445, %mul3A_482 : vector<16xf32>
      %get3A_484 = arith.constant 0 : i32
      %get3A_485 = arith.constant 2 : i32
      %get3A_486 = arith.index_cast %get3A_484 : i32 to index
      %get3A_487 = arith.index_cast %get3A_485 : i32 to index
      %get3A_488 = arith.index_cast %mul3A_465 : i32 to index
      %get3A_489 = tpu.vector_load %arg6[%get3A_486, %get3A_487, %get3A_488] {strides = array<i32>} : memref<2x4x8192xf32, #tpu.memory_space<vmem>>, vector<16xf32>,
      %mul3A_490 = arith.mulf %get3A_489, %get3A_467 : vector<16xf32>
      %add3A_491 = arith.addf %add3A_453, %mul3A_490 : vector<16xf32>
      %get3A_492 = arith.constant 0 : i32
      %get3A_493 = arith.constant 3 : i32
      %get3A_494 = arith.index_cast %get3A_492 : i32 to index
      %get3A_495 = arith.index_cast %get3A_493 : i32 to index
      %get3A_496 = arith.index_cast %mul3A_465 : i32 to index
      %get3A_497 = tpu.vector_load %arg6[%get3A_494, %get3A_495, %get3A_496] {strides = array<i32>} : memref<2x4x8192xf32, #tpu.memory_space<vmem>>, vector<16xf32>,
      %mul3A_498 = arith.mulf %get3A_497, %get3A_467 : vector<16xf32>
      %add3A_499 = arith.addf %add3A_461, %mul3A_498 : vector<16xf32>
      scf.yield %add3A_475, %add3A_483, %add3A_491, %add3A_499 : vector<16xf32>, vector<16xf32>, vector<16xf32>, vector<16xf32>
    }
    %scan3A_53 = arith.constant 512 : i32
    %swap3A = arith.constant 0 : i32
    %swap3A_54 = arith.index_cast %swap3A : i32 to index
    %swap3A_55 = arith.constant 0 : index
    %swap3A_56 = tpu.vector_load %arg7[%swap3A_54, %swap3A_55] {strides = array<i32>} : memref<16x16xf32, #tpu.memory_space<vmem>>, vector<16xf32>,
    tpu.vector_store %arg7[%swap3A_54, %swap3A_55], %scan3A_52#0 {strides = array<i32>} : memref<16x16xf32, #tpu.memory_space<vmem>>, vector<16xf32>,
    %swap3A_57 = arith.constant 1 : i32
    %swap3A_58 = arith.index_cast %swap3A_57 : i32 to index
    %swap3A_59 = arith.constant 0 : index
    %swap3A_60 = tpu.vector_load %arg7[%swap3A_58, %swap3A_59] {strides = array<i32>} : memref<16x16xf32, #tpu.memory_space<vmem>>, vector<16xf32>,
    tpu.vector_store %arg7[%swap3A_58, %swap3A_59], %scan3A_52#1 {strides = array<i32>} : memref<16x16xf32, #tpu.memory_space<vmem>>, vector<16xf32>,
    %swap3A_61 = arith.constant 2 : i32
    %swap3A_62 = arith.index_cast %swap3A_61 : i32 to index
    %swap3A_63 = arith.constant 0 : index
    %swap3A_64 = tpu.vector_load %arg7[%swap3A_62, %swap3A_63] {strides = array<i32>} : memref<16x16xf32, #tpu.memory_space<vmem>>, vector<16xf32>,
    tpu.vector_store %arg7[%swap3A_62, %swap3A_63], %scan3A_52#2 {strides = array<i32>} : memref<16x16xf32, #tpu.memory_space<vmem>>, vector<16xf32>,
    %swap3A_65 = arith.constant 3 : i32
    %swap3A_66 = arith.index_cast %swap3A_65 : i32 to index
    %swap3A_67 = arith.constant 0 : index
    %swap3A_68 = tpu.vector_load %arg7[%swap3A_66, %swap3A_67] {strides = array<i32>} : memref<16x16xf32, #tpu.memory_space<vmem>>, vector<16xf32>,
    tpu.vector_store %arg7[%swap3A_66, %swap3A_67], %scan3A_52#3 {strides = array<i32>} : memref<16x16xf32, #tpu.memory_space<vmem>>, vector<16xf32>,
    %add3A_69 = arith.constant 2 : i32
    %add3A_70 = arith.addi %add3A_35, %add3A_69 : i32
    %lt3A = arith.constant 4 : i32
    %lt3A_71 = arith.cmpi slt, %add3A_70, %lt3A : i32
    %convert_element_type3A = arith.extui %lt3A_71 : i1 to i32
    %cond3A = arith.constant 0 : i32
    %cond3A_72 = arith.cmpi ne, %convert_element_type3A, %cond3A : i32
    scf.if %cond3A_72 {
      %add3A_346 = arith.constant 2 : i32
      %add3A_347 = arith.addi %add3A_35, %add3A_346 : i32
      %mul3A_348 = arith.constant 4 : i32
      %mul3A_349 = arith.muli %add3A_347, %mul3A_348 : i32
      %add3A_350 = arith.addi %mul3A_2, %mul3A_349 : i32
      %dma_start3A_351 = arith.constant 0 : i32
      %dma_start3A_352 = arith.constant 0 : i32
      %dma_start3A_353 = arith.constant 0 : i32
      %dma_start3A_354 = tpu.memref_slice %arg6[%dma_start3A_351, %dma_start3A_352, %dma_start3A_353] : memref<2x4x8192xf32, #tpu.memory_space<vmem>> -> memref<1x4x8192xf32, #tpu.memory_space<vmem>>
      %dma_start3A_355 = tpu.memref_squeeze %dma_start3A_354 : memref<1x4x8192xf32, #tpu.memory_space<vmem>> -> memref<4x8192xf32, #tpu.memory_space<vmem>>
      %dma_start3A_356 = arith.constant 0 : i32
      %dma_start3A_357 = tpu.memref_slice %arg3[%add3A_350, %dma_start3A_356] : memref<4096x8192xf32, #tpu.memory_space<hbm>> -> memref<4x8192xf32, #tpu.memory_space<hbm>>
      %dma_start3A_358 = arith.constant 0 : i32
      %dma_start3A_359 = arith.constant 0 : i32
      %dma_start3A_360 = tpu.memref_slice %arg6[%dma_start3A_351, %dma_start3A_358, %dma_start3A_359] : memref<2x4x8192xf32, #tpu.memory_space<vmem>> -> memref<1x4x8192xf32, #tpu.memory_space<vmem>>
      %dma_start3A_361 = tpu.memref_squeeze %dma_start3A_360 : memref<1x4x8192xf32, #tpu.memory_space<vmem>> -> memref<4x8192xf32, #tpu.memory_space<vmem>>
      %dma_start3A_362 = arith.constant 0 : i32
      %dma_start3A_363 = tpu.memref_slice %arg3[%add3A_350, %dma_start3A_362] : memref<4096x8192xf32, #tpu.memory_space<hbm>> -> memref<4x8192xf32, #tpu.memory_space<hbm>>
      tpu.enqueue_dma source(%dma_start3A_363 : memref<4x8192xf32, #tpu.memory_space<hbm>>) target(%dma_start3A_361 : memref<4x8192xf32, #tpu.memory_space<vmem>>) target_semaphore(%arg9 : memref<!tpu.dma_semaphore, #tpu.memory_space<semaphore_mem>>)
    } else {
    }
    %mul3A_73 = arith.constant 4 : i32
    %mul3A_74 = arith.muli %scan3A_31, %mul3A_73 : i32
    %add3A_75 = arith.constant 1 : i32
    %add3A_76 = arith.addi %mul3A_74, %add3A_75 : i32
    %dma_wait3A_77 = arith.constant 1 : i32
    %dma_wait3A_78 = arith.constant 0 : i32
    %dma_wait3A_79 = arith.constant 0 : i32
    %dma_wait3A_80 = tpu.memref_slice %arg6[%dma_wait3A_77, %dma_wait3A_78, %dma_wait3A_79] : memref<2x4x8192xf32, #tpu.memory_space<vmem>> -> memref<1x4x8192xf32, #tpu.memory_space<vmem>>
    %dma_wait3A_81 = tpu.memref_squeeze %dma_wait3A_80 : memref<1x4x8192xf32, #tpu.memory_space<vmem>> -> memref<4x8192xf32, #tpu.memory_space<vmem>>
    %dma_wait3A_82 = arith.constant 0 : i32
    %dma_wait3A_83 = tpu.memref_slice %arg3[%mul3A_2, %dma_wait3A_82] : memref<4096x8192xf32, #tpu.memory_space<hbm>> -> memref<4x8192xf32, #tpu.memory_space<hbm>>
    %dma_wait3A_84 = arith.constant 0 : i32
    %dma_wait3A_85 = arith.constant 0 : i32
    %dma_wait3A_86 = tpu.memref_slice %arg6[%dma_wait3A_77, %dma_wait3A_84, %dma_wait3A_85] : memref<2x4x8192xf32, #tpu.memory_space<vmem>> -> memref<1x4x8192xf32, #tpu.memory_space<vmem>>
    %dma_wait3A_87 = tpu.memref_squeeze %dma_wait3A_86 : memref<1x4x8192xf32, #tpu.memory_space<vmem>> -> memref<4x8192xf32, #tpu.memory_space<vmem>>
    %dma_wait3A_88 = arith.constant 0 : i32
    %dma_wait3A_89 = tpu.memref_slice %arg3[%mul3A_2, %dma_wait3A_88] : memref<4096x8192xf32, #tpu.memory_space<hbm>> -> memref<4x8192xf32, #tpu.memory_space<hbm>>
    tpu.wait_dma2 semaphore(%arg10 : memref<!tpu.dma_semaphore, #tpu.memory_space<semaphore_mem>>) src(%dma_wait3A_89 : memref<4x8192xf32, #tpu.memory_space<hbm>>) dst(%dma_wait3A_87 : memref<4x8192xf32, #tpu.memory_space<vmem>>)
    %scan3A_90 = arith.constant 0 : i32
    %scan3A_91 = arith.constant 512 : i32
    %scan3A_92 = arith.addi %scan3A_90, %scan3A_91 : i32
    %scan3A_93 = arith.constant 4 : i32
    %scan3A_94:4 = scf.for %scan3A_346 = %scan3A_90 to %scan3A_92 step %scan3A_93 iter_args(%scan3A_347 = %broadcast_in_dim3A_30, %scan3A_348 = %broadcast_in_dim3A_30, %scan3A_349 = %broadcast_in_dim3A_30, %scan3A_350 = %broadcast_in_dim3A_30) -> (vector<16xf32>, vector<16xf32>, vector<16xf32>, vector<16xf32>)  : i32 {
      %mul3A_351 = arith.constant 16 : i32
      %mul3A_352 = arith.muli %scan3A_346, %mul3A_351 : i32
      %get3A = arith.index_cast %mul3A_352 : i32 to index
      %get3A_353 = tpu.vector_load %arg5[%get3A] {strides = array<i32>} : memref<8192xf32, #tpu.memory_space<vmem>>, vector<16xf32>,
      %get3A_354 = arith.constant 1 : i32
      %get3A_355 = arith.constant 0 : i32
      %get3A_356 = arith.index_cast %get3A_354 : i32 to index
      %get3A_357 = arith.index_cast %get3A_355 : i32 to index
      %get3A_358 = arith.index_cast %mul3A_352 : i32 to index
      %get3A_359 = tpu.vector_load %arg6[%get3A_356, %get3A_357, %get3A_358] {strides = array<i32>} : memref<2x4x8192xf32, #tpu.memory_space<vmem>>, vector<16xf32>,
      %mul3A_360 = arith.mulf %get3A_359, %get3A_353 : vector<16xf32>
      %add3A_361 = arith.addf %scan3A_347, %mul3A_360 : vector<16xf32>
      %get3A_362 = arith.constant 1 : i32
      %get3A_363 = arith.constant 1 : i32
      %get3A_364 = arith.index_cast %get3A_362 : i32 to index
      %get3A_365 = arith.index_cast %get3A_363 : i32 to index
      %get3A_366 = arith.index_cast %mul3A_352 : i32 to index
      %get3A_367 = tpu.vector_load %arg6[%get3A_364, %get3A_365, %get3A_366] {strides = array<i32>} : memref<2x4x8192xf32, #tpu.memory_space<vmem>>, vector<16xf32>,
      %mul3A_368 = arith.mulf %get3A_367, %get3A_353 : vector<16xf32>
      %add3A_369 = arith.addf %scan3A_348, %mul3A_368 : vector<16xf32>
      %get3A_370 = arith.constant 1 : i32
      %get3A_371 = arith.constant 2 : i32
      %get3A_372 = arith.index_cast %get3A_370 : i32 to index
      %get3A_373 = arith.index_cast %get3A_371 : i32 to index
      %get3A_374 = arith.index_cast %mul3A_352 : i32 to index
      %get3A_375 = tpu.vector_load %arg6[%get3A_372, %get3A_373, %get3A_374] {strides = array<i32>} : memref<2x4x8192xf32, #tpu.memory_space<vmem>>, vector<16xf32>,
      %mul3A_376 = arith.mulf %get3A_375, %get3A_353 : vector<16xf32>
      %add3A_377 = arith.addf %scan3A_349, %mul3A_376 : vector<16xf32>
      %get3A_378 = arith.constant 1 : i32
      %get3A_379 = arith.constant 3 : i32
      %get3A_380 = arith.index_cast %get3A_378 : i32 to index
      %get3A_381 = arith.index_cast %get3A_379 : i32 to index
      %get3A_382 = arith.index_cast %mul3A_352 : i32 to index
      %get3A_383 = tpu.vector_load %arg6[%get3A_380, %get3A_381, %get3A_382] {strides = array<i32>} : memref<2x4x8192xf32, #tpu.memory_space<vmem>>, vector<16xf32>,
      %mul3A_384 = arith.mulf %get3A_383, %get3A_353 : vector<16xf32>
      %add3A_385 = arith.addf %scan3A_350, %mul3A_384 : vector<16xf32>
      %scan3A_386 = arith.constant 1 : i32
      %scan3A_387 = arith.addi %scan3A_346, %scan3A_386 : i32
      %mul3A_388 = arith.constant 16 : i32
      %mul3A_389 = arith.muli %scan3A_387, %mul3A_388 : i32
      %get3A_390 = arith.index_cast %mul3A_389 : i32 to index
      %get3A_391 = tpu.vector_load %arg5[%get3A_390] {strides = array<i32>} : memref<8192xf32, #tpu.memory_space<vmem>>, vector<16xf32>,
      %get3A_392 = arith.constant 1 : i32
      %get3A_393 = arith.constant 0 : i32
      %get3A_394 = arith.index_cast %get3A_392 : i32 to index
      %get3A_395 = arith.index_cast %get3A_393 : i32 to index
      %get3A_396 = arith.index_cast %mul3A_389 : i32 to index
      %get3A_397 = tpu.vector_load %arg6[%get3A_394, %get3A_395, %get3A_396] {strides = array<i32>} : memref<2x4x8192xf32, #tpu.memory_space<vmem>>, vector<16xf32>,
      %mul3A_398 = arith.mulf %get3A_397, %get3A_391 : vector<16xf32>
      %add3A_399 = arith.addf %add3A_361, %mul3A_398 : vector<16xf32>
      %get3A_400 = arith.constant 1 : i32
      %get3A_401 = arith.constant 1 : i32
      %get3A_402 = arith.index_cast %get3A_400 : i32 to index
      %get3A_403 = arith.index_cast %get3A_401 : i32 to index
      %get3A_404 = arith.index_cast %mul3A_389 : i32 to index
      %get3A_405 = tpu.vector_load %arg6[%get3A_402, %get3A_403, %get3A_404] {strides = array<i32>} : memref<2x4x8192xf32, #tpu.memory_space<vmem>>, vector<16xf32>,
      %mul3A_406 = arith.mulf %get3A_405, %get3A_391 : vector<16xf32>
      %add3A_407 = arith.addf %add3A_369, %mul3A_406 : vector<16xf32>
      %get3A_408 = arith.constant 1 : i32
      %get3A_409 = arith.constant 2 : i32
      %get3A_410 = arith.index_cast %get3A_408 : i32 to index
      %get3A_411 = arith.index_cast %get3A_409 : i32 to index
      %get3A_412 = arith.index_cast %mul3A_389 : i32 to index
      %get3A_413 = tpu.vector_load %arg6[%get3A_410, %get3A_411, %get3A_412] {strides = array<i32>} : memref<2x4x8192xf32, #tpu.memory_space<vmem>>, vector<16xf32>,
      %mul3A_414 = arith.mulf %get3A_413, %get3A_391 : vector<16xf32>
      %add3A_415 = arith.addf %add3A_377, %mul3A_414 : vector<16xf32>
      %get3A_416 = arith.constant 1 : i32
      %get3A_417 = arith.constant 3 : i32
      %get3A_418 = arith.index_cast %get3A_416 : i32 to index
      %get3A_419 = arith.index_cast %get3A_417 : i32 to index
      %get3A_420 = arith.index_cast %mul3A_389 : i32 to index
      %get3A_421 = tpu.vector_load %arg6[%get3A_418, %get3A_419, %get3A_420] {strides = array<i32>} : memref<2x4x8192xf32, #tpu.memory_space<vmem>>, vector<16xf32>,
      %mul3A_422 = arith.mulf %get3A_421, %get3A_391 : vector<16xf32>
      %add3A_423 = arith.addf %add3A_385, %mul3A_422 : vector<16xf32>
      %scan3A_424 = arith.constant 2 : i32
      %scan3A_425 = arith.addi %scan3A_346, %scan3A_424 : i32
      %mul3A_426 = arith.constant 16 : i32
      %mul3A_427 = arith.muli %scan3A_425, %mul3A_426 : i32
      %get3A_428 = arith.index_cast %mul3A_427 : i32 to index
      %get3A_429 = tpu.vector_load %arg5[%get3A_428] {strides = array<i32>} : memref<8192xf32, #tpu.memory_space<vmem>>, vector<16xf32>,
      %get3A_430 = arith.constant 1 : i32
      %get3A_431 = arith.constant 0 : i32
      %get3A_432 = arith.index_cast %get3A_430 : i32 to index
      %get3A_433 = arith.index_cast %get3A_431 : i32 to index
      %get3A_434 = arith.index_cast %mul3A_427 : i32 to index
      %get3A_435 = tpu.vector_load %arg6[%get3A_432, %get3A_433, %get3A_434] {strides = array<i32>} : memref<2x4x8192xf32, #tpu.memory_space<vmem>>, vector<16xf32>,
      %mul3A_436 = arith.mulf %get3A_435, %get3A_429 : vector<16xf32>
      %add3A_437 = arith.addf %add3A_399, %mul3A_436 : vector<16xf32>
      %get3A_438 = arith.constant 1 : i32
      %get3A_439 = arith.constant 1 : i32
      %get3A_440 = arith.index_cast %get3A_438 : i32 to index
      %get3A_441 = arith.index_cast %get3A_439 : i32 to index
      %get3A_442 = arith.index_cast %mul3A_427 : i32 to index
      %get3A_443 = tpu.vector_load %arg6[%get3A_440, %get3A_441, %get3A_442] {strides = array<i32>} : memref<2x4x8192xf32, #tpu.memory_space<vmem>>, vector<16xf32>,
      %mul3A_444 = arith.mulf %get3A_443, %get3A_429 : vector<16xf32>
      %add3A_445 = arith.addf %add3A_407, %mul3A_444 : vector<16xf32>
      %get3A_446 = arith.constant 1 : i32
      %get3A_447 = arith.constant 2 : i32
      %get3A_448 = arith.index_cast %get3A_446 : i32 to index
      %get3A_449 = arith.index_cast %get3A_447 : i32 to index
      %get3A_450 = arith.index_cast %mul3A_427 : i32 to index
      %get3A_451 = tpu.vector_load %arg6[%get3A_448, %get3A_449, %get3A_450] {strides = array<i32>} : memref<2x4x8192xf32, #tpu.memory_space<vmem>>, vector<16xf32>,
      %mul3A_452 = arith.mulf %get3A_451, %get3A_429 : vector<16xf32>
      %add3A_453 = arith.addf %add3A_415, %mul3A_452 : vector<16xf32>
      %get3A_454 = arith.constant 1 : i32
      %get3A_455 = arith.constant 3 : i32
      %get3A_456 = arith.index_cast %get3A_454 : i32 to index
      %get3A_457 = arith.index_cast %get3A_455 : i32 to index
      %get3A_458 = arith.index_cast %mul3A_427 : i32 to index
      %get3A_459 = tpu.vector_load %arg6[%get3A_456, %get3A_457, %get3A_458] {strides = array<i32>} : memref<2x4x8192xf32, #tpu.memory_space<vmem>>, vector<16xf32>,
      %mul3A_460 = arith.mulf %get3A_459, %get3A_429 : vector<16xf32>
      %add3A_461 = arith.addf %add3A_423, %mul3A_460 : vector<16xf32>
      %scan3A_462 = arith.constant 3 : i32
      %scan3A_463 = arith.addi %scan3A_346, %scan3A_462 : i32
      %mul3A_464 = arith.constant 16 : i32
      %mul3A_465 = arith.muli %scan3A_463, %mul3A_464 : i32
      %get3A_466 = arith.index_cast %mul3A_465 : i32 to index
      %get3A_467 = tpu.vector_load %arg5[%get3A_466] {strides = array<i32>} : memref<8192xf32, #tpu.memory_space<vmem>>, vector<16xf32>,
      %get3A_468 = arith.constant 1 : i32
      %get3A_469 = arith.constant 0 : i32
      %get3A_470 = arith.index_cast %get3A_468 : i32 to index
      %get3A_471 = arith.index_cast %get3A_469 : i32 to index
      %get3A_472 = arith.index_cast %mul3A_465 : i32 to index
      %get3A_473 = tpu.vector_load %arg6[%get3A_470, %get3A_471, %get3A_472] {strides = array<i32>} : memref<2x4x8192xf32, #tpu.memory_space<vmem>>, vector<16xf32>,
      %mul3A_474 = arith.mulf %get3A_473, %get3A_467 : vector<16xf32>
      %add3A_475 = arith.addf %add3A_437, %mul3A_474 : vector<16xf32>
      %get3A_476 = arith.constant 1 : i32
      %get3A_477 = arith.constant 1 : i32
      %get3A_478 = arith.index_cast %get3A_476 : i32 to index
      %get3A_479 = arith.index_cast %get3A_477 : i32 to index
      %get3A_480 = arith.index_cast %mul3A_465 : i32 to index
      %get3A_481 = tpu.vector_load %arg6[%get3A_478, %get3A_479, %get3A_480] {strides = array<i32>} : memref<2x4x8192xf32, #tpu.memory_space<vmem>>, vector<16xf32>,
      %mul3A_482 = arith.mulf %get3A_481, %get3A_467 : vector<16xf32>
      %add3A_483 = arith.addf %add3A_445, %mul3A_482 : vector<16xf32>
      %get3A_484 = arith.constant 1 : i32
      %get3A_485 = arith.constant 2 : i32
      %get3A_486 = arith.index_cast %get3A_484 : i32 to index
      %get3A_487 = arith.index_cast %get3A_485 : i32 to index
      %get3A_488 = arith.index_cast %mul3A_465 : i32 to index
      %get3A_489 = tpu.vector_load %arg6[%get3A_486, %get3A_487, %get3A_488] {strides = array<i32>} : memref<2x4x8192xf32, #tpu.memory_space<vmem>>, vector<16xf32>,
      %mul3A_490 = arith.mulf %get3A_489, %get3A_467 : vector<16xf32>
      %add3A_491 = arith.addf %add3A_453, %mul3A_490 : vector<16xf32>
      %get3A_492 = arith.constant 1 : i32
      %get3A_493 = arith.constant 3 : i32
      %get3A_494 = arith.index_cast %get3A_492 : i32 to index
      %get3A_495 = arith.index_cast %get3A_493 : i32 to index
      %get3A_496 = arith.index_cast %mul3A_465 : i32 to index
      %get3A_497 = tpu.vector_load %arg6[%get3A_494, %get3A_495, %get3A_496] {strides = array<i32>} : memref<2x4x8192xf32, #tpu.memory_space<vmem>>, vector<16xf32>,
      %mul3A_498 = arith.mulf %get3A_497, %get3A_467 : vector<16xf32>
      %add3A_499 = arith.addf %add3A_461, %mul3A_498 : vector<16xf32>
      scf.yield %add3A_475, %add3A_483, %add3A_491, %add3A_499 : vector<16xf32>, vector<16xf32>, vector<16xf32>, vector<16xf32>
    }
    %scan3A_95 = arith.constant 512 : i32
    %swap3A_96 = arith.constant 4 : i32
    %swap3A_97 = arith.index_cast %swap3A_96 : i32 to index
    %swap3A_98 = arith.constant 0 : index
    %swap3A_99 = tpu.vector_load %arg7[%swap3A_97, %swap3A_98] {strides = array<i32>} : memref<16x16xf32, #tpu.memory_space<vmem>>, vector<16xf32>,
    tpu.vector_store %arg7[%swap3A_97, %swap3A_98], %scan3A_94#0 {strides = array<i32>} : memref<16x16xf32, #tpu.memory_space<vmem>>, vector<16xf32>,
    %swap3A_100 = arith.constant 5 : i32
    %swap3A_101 = arith.index_cast %swap3A_100 : i32 to index
    %swap3A_102 = arith.constant 0 : index
    %swap3A_103 = tpu.vector_load %arg7[%swap3A_101, %swap3A_102] {strides = array<i32>} : memref<16x16xf32, #tpu.memory_space<vmem>>, vector<16xf32>,
    tpu.vector_store %arg7[%swap3A_101, %swap3A_102], %scan3A_94#1 {strides = array<i32>} : memref<16x16xf32, #tpu.memory_space<vmem>>, vector<16xf32>,
    %swap3A_104 = arith.constant 6 : i32
    %swap3A_105 = arith.index_cast %swap3A_104 : i32 to index
    %swap3A_106 = arith.constant 0 : index
    %swap3A_107 = tpu.vector_load %arg7[%swap3A_105, %swap3A_106] {strides = array<i32>} : memref<16x16xf32, #tpu.memory_space<vmem>>, vector<16xf32>,
    tpu.vector_store %arg7[%swap3A_105, %swap3A_106], %scan3A_94#2 {strides = array<i32>} : memref<16x16xf32, #tpu.memory_space<vmem>>, vector<16xf32>,
    %swap3A_108 = arith.constant 7 : i32
    %swap3A_109 = arith.index_cast %swap3A_108 : i32 to index
    %swap3A_110 = arith.constant 0 : index
    %swap3A_111 = tpu.vector_load %arg7[%swap3A_109, %swap3A_110] {strides = array<i32>} : memref<16x16xf32, #tpu.memory_space<vmem>>, vector<16xf32>,
    tpu.vector_store %arg7[%swap3A_109, %swap3A_110], %scan3A_94#3 {strides = array<i32>} : memref<16x16xf32, #tpu.memory_space<vmem>>, vector<16xf32>,
    %add3A_112 = arith.constant 2 : i32
    %add3A_113 = arith.addi %add3A_76, %add3A_112 : i32
    %lt3A_114 = arith.constant 4 : i32
    %lt3A_115 = arith.cmpi slt, %add3A_113, %lt3A_114 : i32
    %convert_element_type3A_116 = arith.extui %lt3A_115 : i1 to i32
    %cond3A_117 = arith.constant 0 : i32
    %cond3A_118 = arith.cmpi ne, %convert_element_type3A_116, %cond3A_117 : i32
    scf.if %cond3A_118 {
      %add3A_346 = arith.constant 2 : i32
      %add3A_347 = arith.addi %add3A_76, %add3A_346 : i32
      %mul3A_348 = arith.constant 4 : i32
      %mul3A_349 = arith.muli %add3A_347, %mul3A_348 : i32
      %add3A_350 = arith.addi %mul3A_2, %mul3A_349 : i32
      %dma_start3A_351 = arith.constant 1 : i32
      %dma_start3A_352 = arith.constant 0 : i32
      %dma_start3A_353 = arith.constant 0 : i32
      %dma_start3A_354 = tpu.memref_slice %arg6[%dma_start3A_351, %dma_start3A_352, %dma_start3A_353] : memref<2x4x8192xf32, #tpu.memory_space<vmem>> -> memref<1x4x8192xf32, #tpu.memory_space<vmem>>
      %dma_start3A_355 = tpu.memref_squeeze %dma_start3A_354 : memref<1x4x8192xf32, #tpu.memory_space<vmem>> -> memref<4x8192xf32, #tpu.memory_space<vmem>>
      %dma_start3A_356 = arith.constant 0 : i32
      %dma_start3A_357 = tpu.memref_slice %arg3[%add3A_350, %dma_start3A_356] : memref<4096x8192xf32, #tpu.memory_space<hbm>> -> memref<4x8192xf32, #tpu.memory_space<hbm>>
      %dma_start3A_358 = arith.constant 0 : i32
      %dma_start3A_359 = arith.constant 0 : i32
      %dma_start3A_360 = tpu.memref_slice %arg6[%dma_start3A_351, %dma_start3A_358, %dma_start3A_359] : memref<2x4x8192xf32, #tpu.memory_space<vmem>> -> memref<1x4x8192xf32, #tpu.memory_space<vmem>>
      %dma_start3A_361 = tpu.memref_squeeze %dma_start3A_360 : memref<1x4x8192xf32, #tpu.memory_space<vmem>> -> memref<4x8192xf32, #tpu.memory_space<vmem>>
      %dma_start3A_362 = arith.constant 0 : i32
      %dma_start3A_363 = tpu.memref_slice %arg3[%add3A_350, %dma_start3A_362] : memref<4096x8192xf32, #tpu.memory_space<hbm>> -> memref<4x8192xf32, #tpu.memory_space<hbm>>
      tpu.enqueue_dma source(%dma_start3A_363 : memref<4x8192xf32, #tpu.memory_space<hbm>>) target(%dma_start3A_361 : memref<4x8192xf32, #tpu.memory_space<vmem>>) target_semaphore(%arg10 : memref<!tpu.dma_semaphore, #tpu.memory_space<semaphore_mem>>)
    } else {
    }
    %mul3A_119 = arith.constant 4 : i32
    %mul3A_120 = arith.muli %scan3A_31, %mul3A_119 : i32
    %add3A_121 = arith.constant 2 : i32
    %add3A_122 = arith.addi %mul3A_120, %add3A_121 : i32
    %dma_wait3A_123 = arith.constant 0 : i32
    %dma_wait3A_124 = arith.constant 0 : i32
    %dma_wait3A_125 = arith.constant 0 : i32
    %dma_wait3A_126 = tpu.memref_slice %arg6[%dma_wait3A_123, %dma_wait3A_124, %dma_wait3A_125] : memref<2x4x8192xf32, #tpu.memory_space<vmem>> -> memref<1x4x8192xf32, #tpu.memory_space<vmem>>
    %dma_wait3A_127 = tpu.memref_squeeze %dma_wait3A_126 : memref<1x4x8192xf32, #tpu.memory_space<vmem>> -> memref<4x8192xf32, #tpu.memory_space<vmem>>
    %dma_wait3A_128 = arith.constant 0 : i32
    %dma_wait3A_129 = tpu.memref_slice %arg3[%mul3A_2, %dma_wait3A_128] : memref<4096x8192xf32, #tpu.memory_space<hbm>> -> memref<4x8192xf32, #tpu.memory_space<hbm>>
    %dma_wait3A_130 = arith.constant 0 : i32
    %dma_wait3A_131 = arith.constant 0 : i32
    %dma_wait3A_132 = tpu.memref_slice %arg6[%dma_wait3A_123, %dma_wait3A_130, %dma_wait3A_131] : memref<2x4x8192xf32, #tpu.memory_space<vmem>> -> memref<1x4x8192xf32, #tpu.memory_space<vmem>>
    %dma_wait3A_133 = tpu.memref_squeeze %dma_wait3A_132 : memref<1x4x8192xf32, #tpu.memory_space<vmem>> -> memref<4x8192xf32, #tpu.memory_space<vmem>>
    %dma_wait3A_134 = arith.constant 0 : i32
    %dma_wait3A_135 = tpu.memref_slice %arg3[%mul3A_2, %dma_wait3A_134] : memref<4096x8192xf32, #tpu.memory_space<hbm>> -> memref<4x8192xf32, #tpu.memory_space<hbm>>
    tpu.wait_dma2 semaphore(%arg9 : memref<!tpu.dma_semaphore, #tpu.memory_space<semaphore_mem>>) src(%dma_wait3A_135 : memref<4x8192xf32, #tpu.memory_space<hbm>>) dst(%dma_wait3A_133 : memref<4x8192xf32, #tpu.memory_space<vmem>>)
    %scan3A_136 = arith.constant 0 : i32
    %scan3A_137 = arith.constant 512 : i32
    %scan3A_138 = arith.addi %scan3A_136, %scan3A_137 : i32
    %scan3A_139 = arith.constant 4 : i32
    %scan3A_140:4 = scf.for %scan3A_346 = %scan3A_136 to %scan3A_138 step %scan3A_139 iter_args(%scan3A_347 = %broadcast_in_dim3A_30, %scan3A_348 = %broadcast_in_dim3A_30, %scan3A_349 = %broadcast_in_dim3A_30, %scan3A_350 = %broadcast_in_dim3A_30) -> (vector<16xf32>, vector<16xf32>, vector<16xf32>, vector<16xf32>)  : i32 {
      %mul3A_351 = arith.constant 16 : i32
      %mul3A_352 = arith.muli %scan3A_346, %mul3A_351 : i32
      %get3A = arith.index_cast %mul3A_352 : i32 to index
      %get3A_353 = tpu.vector_load %arg5[%get3A] {strides = array<i32>} : memref<8192xf32, #tpu.memory_space<vmem>>, vector<16xf32>,
      %get3A_354 = arith.constant 0 : i32
      %get3A_355 = arith.constant 0 : i32
      %get3A_356 = arith.index_cast %get3A_354 : i32 to index
      %get3A_357 = arith.index_cast %get3A_355 : i32 to index
      %get3A_358 = arith.index_cast %mul3A_352 : i32 to index
      %get3A_359 = tpu.vector_load %arg6[%get3A_356, %get3A_357, %get3A_358] {strides = array<i32>} : memref<2x4x8192xf32, #tpu.memory_space<vmem>>, vector<16xf32>,
      %mul3A_360 = arith.mulf %get3A_359, %get3A_353 : vector<16xf32>
      %add3A_361 = arith.addf %scan3A_347, %mul3A_360 : vector<16xf32>
      %get3A_362 = arith.constant 0 : i32
      %get3A_363 = arith.constant 1 : i32
      %get3A_364 = arith.index_cast %get3A_362 : i32 to index
      %get3A_365 = arith.index_cast %get3A_363 : i32 to index
      %get3A_366 = arith.index_cast %mul3A_352 : i32 to index
      %get3A_367 = tpu.vector_load %arg6[%get3A_364, %get3A_365, %get3A_366] {strides = array<i32>} : memref<2x4x8192xf32, #tpu.memory_space<vmem>>, vector<16xf32>,
      %mul3A_368 = arith.mulf %get3A_367, %get3A_353 : vector<16xf32>
      %add3A_369 = arith.addf %scan3A_348, %mul3A_368 : vector<16xf32>
      %get3A_370 = arith.constant 0 : i32
      %get3A_371 = arith.constant 2 : i32
      %get3A_372 = arith.index_cast %get3A_370 : i32 to index
      %get3A_373 = arith.index_cast %get3A_371 : i32 to index
      %get3A_374 = arith.index_cast %mul3A_352 : i32 to index
      %get3A_375 = tpu.vector_load %arg6[%get3A_372, %get3A_373, %get3A_374] {strides = array<i32>} : memref<2x4x8192xf32, #tpu.memory_space<vmem>>, vector<16xf32>,
      %mul3A_376 = arith.mulf %get3A_375, %get3A_353 : vector<16xf32>
      %add3A_377 = arith.addf %scan3A_349, %mul3A_376 : vector<16xf32>
      %get3A_378 = arith.constant 0 : i32
      %get3A_379 = arith.constant 3 : i32
      %get3A_380 = arith.index_cast %get3A_378 : i32 to index
      %get3A_381 = arith.index_cast %get3A_379 : i32 to index
      %get3A_382 = arith.index_cast %mul3A_352 : i32 to index
      %get3A_383 = tpu.vector_load %arg6[%get3A_380, %get3A_381, %get3A_382] {strides = array<i32>} : memref<2x4x8192xf32, #tpu.memory_space<vmem>>, vector<16xf32>,
      %mul3A_384 = arith.mulf %get3A_383, %get3A_353 : vector<16xf32>
      %add3A_385 = arith.addf %scan3A_350, %mul3A_384 : vector<16xf32>
      %scan3A_386 = arith.constant 1 : i32
      %scan3A_387 = arith.addi %scan3A_346, %scan3A_386 : i32
      %mul3A_388 = arith.constant 16 : i32
      %mul3A_389 = arith.muli %scan3A_387, %mul3A_388 : i32
      %get3A_390 = arith.index_cast %mul3A_389 : i32 to index
      %get3A_391 = tpu.vector_load %arg5[%get3A_390] {strides = array<i32>} : memref<8192xf32, #tpu.memory_space<vmem>>, vector<16xf32>,
      %get3A_392 = arith.constant 0 : i32
      %get3A_393 = arith.constant 0 : i32
      %get3A_394 = arith.index_cast %get3A_392 : i32 to index
      %get3A_395 = arith.index_cast %get3A_393 : i32 to index
      %get3A_396 = arith.index_cast %mul3A_389 : i32 to index
      %get3A_397 = tpu.vector_load %arg6[%get3A_394, %get3A_395, %get3A_396] {strides = array<i32>} : memref<2x4x8192xf32, #tpu.memory_space<vmem>>, vector<16xf32>,
      %mul3A_398 = arith.mulf %get3A_397, %get3A_391 : vector<16xf32>
      %add3A_399 = arith.addf %add3A_361, %mul3A_398 : vector<16xf32>
      %get3A_400 = arith.constant 0 : i32
      %get3A_401 = arith.constant 1 : i32
      %get3A_402 = arith.index_cast %get3A_400 : i32 to index
      %get3A_403 = arith.index_cast %get3A_401 : i32 to index
      %get3A_404 = arith.index_cast %mul3A_389 : i32 to index
      %get3A_405 = tpu.vector_load %arg6[%get3A_402, %get3A_403, %get3A_404] {strides = array<i32>} : memref<2x4x8192xf32, #tpu.memory_space<vmem>>, vector<16xf32>,
      %mul3A_406 = arith.mulf %get3A_405, %get3A_391 : vector<16xf32>
      %add3A_407 = arith.addf %add3A_369, %mul3A_406 : vector<16xf32>
      %get3A_408 = arith.constant 0 : i32
      %get3A_409 = arith.constant 2 : i32
      %get3A_410 = arith.index_cast %get3A_408 : i32 to index
      %get3A_411 = arith.index_cast %get3A_409 : i32 to index
      %get3A_412 = arith.index_cast %mul3A_389 : i32 to index
      %get3A_413 = tpu.vector_load %arg6[%get3A_410, %get3A_411, %get3A_412] {strides = array<i32>} : memref<2x4x8192xf32, #tpu.memory_space<vmem>>, vector<16xf32>,
      %mul3A_414 = arith.mulf %get3A_413, %get3A_391 : vector<16xf32>
      %add3A_415 = arith.addf %add3A_377, %mul3A_414 : vector<16xf32>
      %get3A_416 = arith.constant 0 : i32
      %get3A_417 = arith.constant 3 : i32
      %get3A_418 = arith.index_cast %get3A_416 : i32 to index
      %get3A_419 = arith.index_cast %get3A_417 : i32 to index
      %get3A_420 = arith.index_cast %mul3A_389 : i32 to index
      %get3A_421 = tpu.vector_load %arg6[%get3A_418, %get3A_419, %get3A_420] {strides = array<i32>} : memref<2x4x8192xf32, #tpu.memory_space<vmem>>, vector<16xf32>,
      %mul3A_422 = arith.mulf %get3A_421, %get3A_391 : vector<16xf32>
      %add3A_423 = arith.addf %add3A_385, %mul3A_422 : vector<16xf32>
      %scan3A_424 = arith.constant 2 : i32
      %scan3A_425 = arith.addi %scan3A_346, %scan3A_424 : i32
      %mul3A_426 = arith.constant 16 : i32
      %mul3A_427 = arith.muli %scan3A_425, %mul3A_426 : i32
      %get3A_428 = arith.index_cast %mul3A_427 : i32 to index
      %get3A_429 = tpu.vector_load %arg5[%get3A_428] {strides = array<i32>} : memref<8192xf32, #tpu.memory_space<vmem>>, vector<16xf32>,
      %get3A_430 = arith.constant 0 : i32
      %get3A_431 = arith.constant 0 : i32
      %get3A_432 = arith.index_cast %get3A_430 : i32 to index
      %get3A_433 = arith.index_cast %get3A_431 : i32 to index
      %get3A_434 = arith.index_cast %mul3A_427 : i32 to index
      %get3A_435 = tpu.vector_load %arg6[%get3A_432, %get3A_433, %get3A_434] {strides = array<i32>} : memref<2x4x8192xf32, #tpu.memory_space<vmem>>, vector<16xf32>,
      %mul3A_436 = arith.mulf %get3A_435, %get3A_429 : vector<16xf32>
      %add3A_437 = arith.addf %add3A_399, %mul3A_436 : vector<16xf32>
      %get3A_438 = arith.constant 0 : i32
      %get3A_439 = arith.constant 1 : i32
      %get3A_440 = arith.index_cast %get3A_438 : i32 to index
      %get3A_441 = arith.index_cast %get3A_439 : i32 to index
      %get3A_442 = arith.index_cast %mul3A_427 : i32 to index
      %get3A_443 = tpu.vector_load %arg6[%get3A_440, %get3A_441, %get3A_442] {strides = array<i32>} : memref<2x4x8192xf32, #tpu.memory_space<vmem>>, vector<16xf32>,
      %mul3A_444 = arith.mulf %get3A_443, %get3A_429 : vector<16xf32>
      %add3A_445 = arith.addf %add3A_407, %mul3A_444 : vector<16xf32>
      %get3A_446 = arith.constant 0 : i32
      %get3A_447 = arith.constant 2 : i32
      %get3A_448 = arith.index_cast %get3A_446 : i32 to index
      %get3A_449 = arith.index_cast %get3A_447 : i32 to index
      %get3A_450 = arith.index_cast %mul3A_427 : i32 to index
      %get3A_451 = tpu.vector_load %arg6[%get3A_448, %get3A_449, %get3A_450] {strides = array<i32>} : memref<2x4x8192xf32, #tpu.memory_space<vmem>>, vector<16xf32>,
      %mul3A_452 = arith.mulf %get3A_451, %get3A_429 : vector<16xf32>
      %add3A_453 = arith.addf %add3A_415, %mul3A_452 : vector<16xf32>
      %get3A_454 = arith.constant 0 : i32
      %get3A_455 = arith.constant 3 : i32
      %get3A_456 = arith.index_cast %get3A_454 : i32 to index
      %get3A_457 = arith.index_cast %get3A_455 : i32 to index
      %get3A_458 = arith.index_cast %mul3A_427 : i32 to index
      %get3A_459 = tpu.vector_load %arg6[%get3A_456, %get3A_457, %get3A_458] {strides = array<i32>} : memref<2x4x8192xf32, #tpu.memory_space<vmem>>, vector<16xf32>,
      %mul3A_460 = arith.mulf %get3A_459, %get3A_429 : vector<16xf32>
      %add3A_461 = arith.addf %add3A_423, %mul3A_460 : vector<16xf32>
      %scan3A_462 = arith.constant 3 : i32
      %scan3A_463 = arith.addi %scan3A_346, %scan3A_462 : i32
      %mul3A_464 = arith.constant 16 : i32
      %mul3A_465 = arith.muli %scan3A_463, %mul3A_464 : i32
      %get3A_466 = arith.index_cast %mul3A_465 : i32 to index
      %get3A_467 = tpu.vector_load %arg5[%get3A_466] {strides = array<i32>} : memref<8192xf32, #tpu.memory_space<vmem>>, vector<16xf32>,
      %get3A_468 = arith.constant 0 : i32
      %get3A_469 = arith.constant 0 : i32
      %get3A_470 = arith.index_cast %get3A_468 : i32 to index
      %get3A_471 = arith.index_cast %get3A_469 : i32 to index
      %get3A_472 = arith.index_cast %mul3A_465 : i32 to index
      %get3A_473 = tpu.vector_load %arg6[%get3A_470, %get3A_471, %get3A_472] {strides = array<i32>} : memref<2x4x8192xf32, #tpu.memory_space<vmem>>, vector<16xf32>,
      %mul3A_474 = arith.mulf %get3A_473, %get3A_467 : vector<16xf32>
      %add3A_475 = arith.addf %add3A_437, %mul3A_474 : vector<16xf32>
      %get3A_476 = arith.constant 0 : i32
      %get3A_477 = arith.constant 1 : i32
      %get3A_478 = arith.index_cast %get3A_476 : i32 to index
      %get3A_479 = arith.index_cast %get3A_477 : i32 to index
      %get3A_480 = arith.index_cast %mul3A_465 : i32 to index
      %get3A_481 = tpu.vector_load %arg6[%get3A_478, %get3A_479, %get3A_480] {strides = array<i32>} : memref<2x4x8192xf32, #tpu.memory_space<vmem>>, vector<16xf32>,
      %mul3A_482 = arith.mulf %get3A_481, %get3A_467 : vector<16xf32>
      %add3A_483 = arith.addf %add3A_445, %mul3A_482 : vector<16xf32>
      %get3A_484 = arith.constant 0 : i32
      %get3A_485 = arith.constant 2 : i32
      %get3A_486 = arith.index_cast %get3A_484 : i32 to index
      %get3A_487 = arith.index_cast %get3A_485 : i32 to index
      %get3A_488 = arith.index_cast %mul3A_465 : i32 to index
      %get3A_489 = tpu.vector_load %arg6[%get3A_486, %get3A_487, %get3A_488] {strides = array<i32>} : memref<2x4x8192xf32, #tpu.memory_space<vmem>>, vector<16xf32>,
      %mul3A_490 = arith.mulf %get3A_489, %get3A_467 : vector<16xf32>
      %add3A_491 = arith.addf %add3A_453, %mul3A_490 : vector<16xf32>
      %get3A_492 = arith.constant 0 : i32
      %get3A_493 = arith.constant 3 : i32
      %get3A_494 = arith.index_cast %get3A_492 : i32 to index
      %get3A_495 = arith.index_cast %get3A_493 : i32 to index
      %get3A_496 = arith.index_cast %mul3A_465 : i32 to index
      %get3A_497 = tpu.vector_load %arg6[%get3A_494, %get3A_495, %get3A_496] {strides = array<i32>} : memref<2x4x8192xf32, #tpu.memory_space<vmem>>, vector<16xf32>,
      %mul3A_498 = arith.mulf %get3A_497, %get3A_467 : vector<16xf32>
      %add3A_499 = arith.addf %add3A_461, %mul3A_498 : vector<16xf32>
      scf.yield %add3A_475, %add3A_483, %add3A_491, %add3A_499 : vector<16xf32>, vector<16xf32>, vector<16xf32>, vector<16xf32>
    }
    %scan3A_141 = arith.constant 512 : i32
    %swap3A_142 = arith.constant 8 : i32
    %swap3A_143 = arith.index_cast %swap3A_142 : i32 to index
    %swap3A_144 = arith.constant 0 : index
    %swap3A_145 = tpu.vector_load %arg7[%swap3A_143, %swap3A_144] {strides = array<i32>} : memref<16x16xf32, #tpu.memory_space<vmem>>, vector<16xf32>,
    tpu.vector_store %arg7[%swap3A_143, %swap3A_144], %scan3A_140#0 {strides = array<i32>} : memref<16x16xf32, #tpu.memory_space<vmem>>, vector<16xf32>,
    %swap3A_146 = arith.constant 9 : i32
    %swap3A_147 = arith.index_cast %swap3A_146 : i32 to index
    %swap3A_148 = arith.constant 0 : index
    %swap3A_149 = tpu.vector_load %arg7[%swap3A_147, %swap3A_148] {strides = array<i32>} : memref<16x16xf32, #tpu.memory_space<vmem>>, vector<16xf32>,
    tpu.vector_store %arg7[%swap3A_147, %swap3A_148], %scan3A_140#1 {strides = array<i32>} : memref<16x16xf32, #tpu.memory_space<vmem>>, vector<16xf32>,
    %swap3A_150 = arith.constant 10 : i32
    %swap3A_151 = arith.index_cast %swap3A_150 : i32 to index
    %swap3A_152 = arith.constant 0 : index
    %swap3A_153 = tpu.vector_load %arg7[%swap3A_151, %swap3A_152] {strides = array<i32>} : memref<16x16xf32, #tpu.memory_space<vmem>>, vector<16xf32>,
    tpu.vector_store %arg7[%swap3A_151, %swap3A_152], %scan3A_140#2 {strides = array<i32>} : memref<16x16xf32, #tpu.memory_space<vmem>>, vector<16xf32>,
    %swap3A_154 = arith.constant 11 : i32
    %swap3A_155 = arith.index_cast %swap3A_154 : i32 to index
    %swap3A_156 = arith.constant 0 : index
    %swap3A_157 = tpu.vector_load %arg7[%swap3A_155, %swap3A_156] {strides = array<i32>} : memref<16x16xf32, #tpu.memory_space<vmem>>, vector<16xf32>,
    tpu.vector_store %arg7[%swap3A_155, %swap3A_156], %scan3A_140#3 {strides = array<i32>} : memref<16x16xf32, #tpu.memory_space<vmem>>, vector<16xf32>,
    %add3A_158 = arith.constant 2 : i32
    %add3A_159 = arith.addi %add3A_122, %add3A_158 : i32
    %lt3A_160 = arith.constant 4 : i32
    %lt3A_161 = arith.cmpi slt, %add3A_159, %lt3A_160 : i32
    %convert_element_type3A_162 = arith.extui %lt3A_161 : i1 to i32
    %cond3A_163 = arith.constant 0 : i32
    %cond3A_164 = arith.cmpi ne, %convert_element_type3A_162, %cond3A_163 : i32
    scf.if %cond3A_164 {
      %add3A_346 = arith.constant 2 : i32
      %add3A_347 = arith.addi %add3A_122, %add3A_346 : i32
      %mul3A_348 = arith.constant 4 : i32
      %mul3A_349 = arith.muli %add3A_347, %mul3A_348 : i32
      %add3A_350 = arith.addi %mul3A_2, %mul3A_349 : i32
      %dma_start3A_351 = arith.constant 0 : i32
      %dma_start3A_352 = arith.constant 0 : i32
      %dma_start3A_353 = arith.constant 0 : i32
      %dma_start3A_354 = tpu.memref_slice %arg6[%dma_start3A_351, %dma_start3A_352, %dma_start3A_353] : memref<2x4x8192xf32, #tpu.memory_space<vmem>> -> memref<1x4x8192xf32, #tpu.memory_space<vmem>>
      %dma_start3A_355 = tpu.memref_squeeze %dma_start3A_354 : memref<1x4x8192xf32, #tpu.memory_space<vmem>> -> memref<4x8192xf32, #tpu.memory_space<vmem>>
      %dma_start3A_356 = arith.constant 0 : i32
      %dma_start3A_357 = tpu.memref_slice %arg3[%add3A_350, %dma_start3A_356] : memref<4096x8192xf32, #tpu.memory_space<hbm>> -> memref<4x8192xf32, #tpu.memory_space<hbm>>
      %dma_start3A_358 = arith.constant 0 : i32
      %dma_start3A_359 = arith.constant 0 : i32
      %dma_start3A_360 = tpu.memref_slice %arg6[%dma_start3A_351, %dma_start3A_358, %dma_start3A_359] : memref<2x4x8192xf32, #tpu.memory_space<vmem>> -> memref<1x4x8192xf32, #tpu.memory_space<vmem>>
      %dma_start3A_361 = tpu.memref_squeeze %dma_start3A_360 : memref<1x4x8192xf32, #tpu.memory_space<vmem>> -> memref<4x8192xf32, #tpu.memory_space<vmem>>
      %dma_start3A_362 = arith.constant 0 : i32
      %dma_start3A_363 = tpu.memref_slice %arg3[%add3A_350, %dma_start3A_362] : memref<4096x8192xf32, #tpu.memory_space<hbm>> -> memref<4x8192xf32, #tpu.memory_space<hbm>>
      tpu.enqueue_dma source(%dma_start3A_363 : memref<4x8192xf32, #tpu.memory_space<hbm>>) target(%dma_start3A_361 : memref<4x8192xf32, #tpu.memory_space<vmem>>) target_semaphore(%arg9 : memref<!tpu.dma_semaphore, #tpu.memory_space<semaphore_mem>>)
    } else {
    }
    %mul3A_165 = arith.constant 4 : i32
    %mul3A_166 = arith.muli %scan3A_31, %mul3A_165 : i32
    %add3A_167 = arith.constant 3 : i32
    %add3A_168 = arith.addi %mul3A_166, %add3A_167 : i32
    %dma_wait3A_169 = arith.constant 1 : i32
    %dma_wait3A_170 = arith.constant 0 : i32
    %dma_wait3A_171 = arith.constant 0 : i32
    %dma_wait3A_172 = tpu.memref_slice %arg6[%dma_wait3A_169, %dma_wait3A_170, %dma_wait3A_171] : memref<2x4x8192xf32, #tpu.memory_space<vmem>> -> memref<1x4x8192xf32, #tpu.memory_space<vmem>>
    %dma_wait3A_173 = tpu.memref_squeeze %dma_wait3A_172 : memref<1x4x8192xf32, #tpu.memory_space<vmem>> -> memref<4x8192xf32, #tpu.memory_space<vmem>>
    %dma_wait3A_174 = arith.constant 0 : i32
    %dma_wait3A_175 = tpu.memref_slice %arg3[%mul3A_2, %dma_wait3A_174] : memref<4096x8192xf32, #tpu.memory_space<hbm>> -> memref<4x8192xf32, #tpu.memory_space<hbm>>
    %dma_wait3A_176 = arith.constant 0 : i32
    %dma_wait3A_177 = arith.constant 0 : i32
    %dma_wait3A_178 = tpu.memref_slice %arg6[%dma_wait3A_169, %dma_wait3A_176, %dma_wait3A_177] : memref<2x4x8192xf32, #tpu.memory_space<vmem>> -> memref<1x4x8192xf32, #tpu.memory_space<vmem>>
    %dma_wait3A_179 = tpu.memref_squeeze %dma_wait3A_178 : memref<1x4x8192xf32, #tpu.memory_space<vmem>> -> memref<4x8192xf32, #tpu.memory_space<vmem>>
    %dma_wait3A_180 = arith.constant 0 : i32
    %dma_wait3A_181 = tpu.memref_slice %arg3[%mul3A_2, %dma_wait3A_180] : memref<4096x8192xf32, #tpu.memory_space<hbm>> -> memref<4x8192xf32, #tpu.memory_space<hbm>>
    tpu.wait_dma2 semaphore(%arg10 : memref<!tpu.dma_semaphore, #tpu.memory_space<semaphore_mem>>) src(%dma_wait3A_181 : memref<4x8192xf32, #tpu.memory_space<hbm>>) dst(%dma_wait3A_179 : memref<4x8192xf32, #tpu.memory_space<vmem>>)
    %scan3A_182 = arith.constant 0 : i32
    %scan3A_183 = arith.constant 512 : i32
    %scan3A_184 = arith.addi %scan3A_182, %scan3A_183 : i32
    %scan3A_185 = arith.constant 4 : i32
    %scan3A_186:4 = scf.for %scan3A_346 = %scan3A_182 to %scan3A_184 step %scan3A_185 iter_args(%scan3A_347 = %broadcast_in_dim3A_30, %scan3A_348 = %broadcast_in_dim3A_30, %scan3A_349 = %broadcast_in_dim3A_30, %scan3A_350 = %broadcast_in_dim3A_30) -> (vector<16xf32>, vector<16xf32>, vector<16xf32>, vector<16xf32>)  : i32 {
      %mul3A_351 = arith.constant 16 : i32
      %mul3A_352 = arith.muli %scan3A_346, %mul3A_351 : i32
      %get3A = arith.index_cast %mul3A_352 : i32 to index
      %get3A_353 = tpu.vector_load %arg5[%get3A] {strides = array<i32>} : memref<8192xf32, #tpu.memory_space<vmem>>, vector<16xf32>,
      %get3A_354 = arith.constant 1 : i32
      %get3A_355 = arith.constant 0 : i32
      %get3A_356 = arith.index_cast %get3A_354 : i32 to index
      %get3A_357 = arith.index_cast %get3A_355 : i32 to index
      %get3A_358 = arith.index_cast %mul3A_352 : i32 to index
      %get3A_359 = tpu.vector_load %arg6[%get3A_356, %get3A_357, %get3A_358] {strides = array<i32>} : memref<2x4x8192xf32, #tpu.memory_space<vmem>>, vector<16xf32>,
      %mul3A_360 = arith.mulf %get3A_359, %get3A_353 : vector<16xf32>
      %add3A_361 = arith.addf %scan3A_347, %mul3A_360 : vector<16xf32>
      %get3A_362 = arith.constant 1 : i32
      %get3A_363 = arith.constant 1 : i32
      %get3A_364 = arith.index_cast %get3A_362 : i32 to index
      %get3A_365 = arith.index_cast %get3A_363 : i32 to index
      %get3A_366 = arith.index_cast %mul3A_352 : i32 to index
      %get3A_367 = tpu.vector_load %arg6[%get3A_364, %get3A_365, %get3A_366] {strides = array<i32>} : memref<2x4x8192xf32, #tpu.memory_space<vmem>>, vector<16xf32>,
      %mul3A_368 = arith.mulf %get3A_367, %get3A_353 : vector<16xf32>
      %add3A_369 = arith.addf %scan3A_348, %mul3A_368 : vector<16xf32>
      %get3A_370 = arith.constant 1 : i32
      %get3A_371 = arith.constant 2 : i32
      %get3A_372 = arith.index_cast %get3A_370 : i32 to index
      %get3A_373 = arith.index_cast %get3A_371 : i32 to index
      %get3A_374 = arith.index_cast %mul3A_352 : i32 to index
      %get3A_375 = tpu.vector_load %arg6[%get3A_372, %get3A_373, %get3A_374] {strides = array<i32>} : memref<2x4x8192xf32, #tpu.memory_space<vmem>>, vector<16xf32>,
      %mul3A_376 = arith.mulf %get3A_375, %get3A_353 : vector<16xf32>
      %add3A_377 = arith.addf %scan3A_349, %mul3A_376 : vector<16xf32>
      %get3A_378 = arith.constant 1 : i32
      %get3A_379 = arith.constant 3 : i32
      %get3A_380 = arith.index_cast %get3A_378 : i32 to index
      %get3A_381 = arith.index_cast %get3A_379 : i32 to index
      %get3A_382 = arith.index_cast %mul3A_352 : i32 to index
      %get3A_383 = tpu.vector_load %arg6[%get3A_380, %get3A_381, %get3A_382] {strides = array<i32>} : memref<2x4x8192xf32, #tpu.memory_space<vmem>>, vector<16xf32>,
      %mul3A_384 = arith.mulf %get3A_383, %get3A_353 : vector<16xf32>
      %add3A_385 = arith.addf %scan3A_350, %mul3A_384 : vector<16xf32>
      %scan3A_386 = arith.constant 1 : i32
      %scan3A_387 = arith.addi %scan3A_346, %scan3A_386 : i32
      %mul3A_388 = arith.constant 16 : i32
      %mul3A_389 = arith.muli %scan3A_387, %mul3A_388 : i32
      %get3A_390 = arith.index_cast %mul3A_389 : i32 to index
      %get3A_391 = tpu.vector_load %arg5[%get3A_390] {strides = array<i32>} : memref<8192xf32, #tpu.memory_space<vmem>>, vector<16xf32>,
      %get3A_392 = arith.constant 1 : i32
      %get3A_393 = arith.constant 0 : i32
      %get3A_394 = arith.index_cast %get3A_392 : i32 to index
      %get3A_395 = arith.index_cast %get3A_393 : i32 to index
      %get3A_396 = arith.index_cast %mul3A_389 : i32 to index
      %get3A_397 = tpu.vector_load %arg6[%get3A_394, %get3A_395, %get3A_396] {strides = array<i32>} : memref<2x4x8192xf32, #tpu.memory_space<vmem>>, vector<16xf32>,
      %mul3A_398 = arith.mulf %get3A_397, %get3A_391 : vector<16xf32>
      %add3A_399 = arith.addf %add3A_361, %mul3A_398 : vector<16xf32>
      %get3A_400 = arith.constant 1 : i32
      %get3A_401 = arith.constant 1 : i32
      %get3A_402 = arith.index_cast %get3A_400 : i32 to index
      %get3A_403 = arith.index_cast %get3A_401 : i32 to index
      %get3A_404 = arith.index_cast %mul3A_389 : i32 to index
      %get3A_405 = tpu.vector_load %arg6[%get3A_402, %get3A_403, %get3A_404] {strides = array<i32>} : memref<2x4x8192xf32, #tpu.memory_space<vmem>>, vector<16xf32>,
      %mul3A_406 = arith.mulf %get3A_405, %get3A_391 : vector<16xf32>
      %add3A_407 = arith.addf %add3A_369, %mul3A_406 : vector<16xf32>
      %get3A_408 = arith.constant 1 : i32
      %get3A_409 = arith.constant 2 : i32
      %get3A_410 = arith.index_cast %get3A_408 : i32 to index
      %get3A_411 = arith.index_cast %get3A_409 : i32 to index
      %get3A_412 = arith.index_cast %mul3A_389 : i32 to index
      %get3A_413 = tpu.vector_load %arg6[%get3A_410, %get3A_411, %get3A_412] {strides = array<i32>} : memref<2x4x8192xf32, #tpu.memory_space<vmem>>, vector<16xf32>,
      %mul3A_414 = arith.mulf %get3A_413, %get3A_391 : vector<16xf32>
      %add3A_415 = arith.addf %add3A_377, %mul3A_414 : vector<16xf32>
      %get3A_416 = arith.constant 1 : i32
      %get3A_417 = arith.constant 3 : i32
      %get3A_418 = arith.index_cast %get3A_416 : i32 to index
      %get3A_419 = arith.index_cast %get3A_417 : i32 to index
      %get3A_420 = arith.index_cast %mul3A_389 : i32 to index
      %get3A_421 = tpu.vector_load %arg6[%get3A_418, %get3A_419, %get3A_420] {strides = array<i32>} : memref<2x4x8192xf32, #tpu.memory_space<vmem>>, vector<16xf32>,
      %mul3A_422 = arith.mulf %get3A_421, %get3A_391 : vector<16xf32>
      %add3A_423 = arith.addf %add3A_385, %mul3A_422 : vector<16xf32>
      %scan3A_424 = arith.constant 2 : i32
      %scan3A_425 = arith.addi %scan3A_346, %scan3A_424 : i32
      %mul3A_426 = arith.constant 16 : i32
      %mul3A_427 = arith.muli %scan3A_425, %mul3A_426 : i32
      %get3A_428 = arith.index_cast %mul3A_427 : i32 to index
      %get3A_429 = tpu.vector_load %arg5[%get3A_428] {strides = array<i32>} : memref<8192xf32, #tpu.memory_space<vmem>>, vector<16xf32>,
      %get3A_430 = arith.constant 1 : i32
      %get3A_431 = arith.constant 0 : i32
      %get3A_432 = arith.index_cast %get3A_430 : i32 to index
      %get3A_433 = arith.index_cast %get3A_431 : i32 to index
      %get3A_434 = arith.index_cast %mul3A_427 : i32 to index
      %get3A_435 = tpu.vector_load %arg6[%get3A_432, %get3A_433, %get3A_434] {strides = array<i32>} : memref<2x4x8192xf32, #tpu.memory_space<vmem>>, vector<16xf32>,
      %mul3A_436 = arith.mulf %get3A_435, %get3A_429 : vector<16xf32>
      %add3A_437 = arith.addf %add3A_399, %mul3A_436 : vector<16xf32>
      %get3A_438 = arith.constant 1 : i32
      %get3A_439 = arith.constant 1 : i32
      %get3A_440 = arith.index_cast %get3A_438 : i32 to index
      %get3A_441 = arith.index_cast %get3A_439 : i32 to index
      %get3A_442 = arith.index_cast %mul3A_427 : i32 to index
      %get3A_443 = tpu.vector_load %arg6[%get3A_440, %get3A_441, %get3A_442] {strides = array<i32>} : memref<2x4x8192xf32, #tpu.memory_space<vmem>>, vector<16xf32>,
      %mul3A_444 = arith.mulf %get3A_443, %get3A_429 : vector<16xf32>
      %add3A_445 = arith.addf %add3A_407, %mul3A_444 : vector<16xf32>
      %get3A_446 = arith.constant 1 : i32
      %get3A_447 = arith.constant 2 : i32
      %get3A_448 = arith.index_cast %get3A_446 : i32 to index
      %get3A_449 = arith.index_cast %get3A_447 : i32 to index
      %get3A_450 = arith.index_cast %mul3A_427 : i32 to index
      %get3A_451 = tpu.vector_load %arg6[%get3A_448, %get3A_449, %get3A_450] {strides = array<i32>} : memref<2x4x8192xf32, #tpu.memory_space<vmem>>, vector<16xf32>,
      %mul3A_452 = arith.mulf %get3A_451, %get3A_429 : vector<16xf32>
      %add3A_453 = arith.addf %add3A_415, %mul3A_452 : vector<16xf32>
      %get3A_454 = arith.constant 1 : i32
      %get3A_455 = arith.constant 3 : i32
      %get3A_456 = arith.index_cast %get3A_454 : i32 to index
      %get3A_457 = arith.index_cast %get3A_455 : i32 to index
      %get3A_458 = arith.index_cast %mul3A_427 : i32 to index
      %get3A_459 = tpu.vector_load %arg6[%get3A_456, %get3A_457, %get3A_458] {strides = array<i32>} : memref<2x4x8192xf32, #tpu.memory_space<vmem>>, vector<16xf32>,
      %mul3A_460 = arith.mulf %get3A_459, %get3A_429 : vector<16xf32>
      %add3A_461 = arith.addf %add3A_423, %mul3A_460 : vector<16xf32>
      %scan3A_462 = arith.constant 3 : i32
      %scan3A_463 = arith.addi %scan3A_346, %scan3A_462 : i32
      %mul3A_464 = arith.constant 16 : i32
      %mul3A_465 = arith.muli %scan3A_463, %mul3A_464 : i32
      %get3A_466 = arith.index_cast %mul3A_465 : i32 to index
      %get3A_467 = tpu.vector_load %arg5[%get3A_466] {strides = array<i32>} : memref<8192xf32, #tpu.memory_space<vmem>>, vector<16xf32>,
      %get3A_468 = arith.constant 1 : i32
      %get3A_469 = arith.constant 0 : i32
      %get3A_470 = arith.index_cast %get3A_468 : i32 to index
      %get3A_471 = arith.index_cast %get3A_469 : i32 to index
      %get3A_472 = arith.index_cast %mul3A_465 : i32 to index
      %get3A_473 = tpu.vector_load %arg6[%get3A_470, %get3A_471, %get3A_472] {strides = array<i32>} : memref<2x4x8192xf32, #tpu.memory_space<vmem>>, vector<16xf32>,
      %mul3A_474 = arith.mulf %get3A_473, %get3A_467 : vector<16xf32>
      %add3A_475 = arith.addf %add3A_437, %mul3A_474 : vector<16xf32>
      %get3A_476 = arith.constant 1 : i32
      %get3A_477 = arith.constant 1 : i32
      %get3A_478 = arith.index_cast %get3A_476 : i32 to index
      %get3A_479 = arith.index_cast %get3A_477 : i32 to index
      %get3A_480 = arith.index_cast %mul3A_465 : i32 to index
      %get3A_481 = tpu.vector_load %arg6[%get3A_478, %get3A_479, %get3A_480] {strides = array<i32>} : memref<2x4x8192xf32, #tpu.memory_space<vmem>>, vector<16xf32>,
      %mul3A_482 = arith.mulf %get3A_481, %get3A_467 : vector<16xf32>
      %add3A_483 = arith.addf %add3A_445, %mul3A_482 : vector<16xf32>
      %get3A_484 = arith.constant 1 : i32
      %get3A_485 = arith.constant 2 : i32
      %get3A_486 = arith.index_cast %get3A_484 : i32 to index
      %get3A_487 = arith.index_cast %get3A_485 : i32 to index
      %get3A_488 = arith.index_cast %mul3A_465 : i32 to index
      %get3A_489 = tpu.vector_load %arg6[%get3A_486, %get3A_487, %get3A_488] {strides = array<i32>} : memref<2x4x8192xf32, #tpu.memory_space<vmem>>, vector<16xf32>,
      %mul3A_490 = arith.mulf %get3A_489, %get3A_467 : vector<16xf32>
      %add3A_491 = arith.addf %add3A_453, %mul3A_490 : vector<16xf32>
      %get3A_492 = arith.constant 1 : i32
      %get3A_493 = arith.constant 3 : i32
      %get3A_494 = arith.index_cast %get3A_492 : i32 to index
      %get3A_495 = arith.index_cast %get3A_493 : i32 to index
      %get3A_496 = arith.index_cast %mul3A_465 : i32 to index
      %get3A_497 = tpu.vector_load %arg6[%get3A_494, %get3A_495, %get3A_496] {strides = array<i32>} : memref<2x4x8192xf32, #tpu.memory_space<vmem>>, vector<16xf32>,
      %mul3A_498 = arith.mulf %get3A_497, %get3A_467 : vector<16xf32>
      %add3A_499 = arith.addf %add3A_461, %mul3A_498 : vector<16xf32>
      scf.yield %add3A_475, %add3A_483, %add3A_491, %add3A_499 : vector<16xf32>, vector<16xf32>, vector<16xf32>, vector<16xf32>
    }
    %scan3A_187 = arith.constant 512 : i32
    %swap3A_188 = arith.constant 12 : i32
    %swap3A_189 = arith.index_cast %swap3A_188 : i32 to index
    %swap3A_190 = arith.constant 0 : index
    %swap3A_191 = tpu.vector_load %arg7[%swap3A_189, %swap3A_190] {strides = array<i32>} : memref<16x16xf32, #tpu.memory_space<vmem>>, vector<16xf32>,
    tpu.vector_store %arg7[%swap3A_189, %swap3A_190], %scan3A_186#0 {strides = array<i32>} : memref<16x16xf32, #tpu.memory_space<vmem>>, vector<16xf32>,
    %swap3A_192 = arith.constant 13 : i32
    %swap3A_193 = arith.index_cast %swap3A_192 : i32 to index
    %swap3A_194 = arith.constant 0 : index
    %swap3A_195 = tpu.vector_load %arg7[%swap3A_193, %swap3A_194] {strides = array<i32>} : memref<16x16xf32, #tpu.memory_space<vmem>>, vector<16xf32>,
    tpu.vector_store %arg7[%swap3A_193, %swap3A_194], %scan3A_186#1 {strides = array<i32>} : memref<16x16xf32, #tpu.memory_space<vmem>>, vector<16xf32>,
    %swap3A_196 = arith.constant 14 : i32
    %swap3A_197 = arith.index_cast %swap3A_196 : i32 to index
    %swap3A_198 = arith.constant 0 : index
    %swap3A_199 = tpu.vector_load %arg7[%swap3A_197, %swap3A_198] {strides = array<i32>} : memref<16x16xf32, #tpu.memory_space<vmem>>, vector<16xf32>,
    tpu.vector_store %arg7[%swap3A_197, %swap3A_198], %scan3A_186#2 {strides = array<i32>} : memref<16x16xf32, #tpu.memory_space<vmem>>, vector<16xf32>,
    %swap3A_200 = arith.constant 15 : i32
    %swap3A_201 = arith.index_cast %swap3A_200 : i32 to index
    %swap3A_202 = arith.constant 0 : index
    %swap3A_203 = tpu.vector_load %arg7[%swap3A_201, %swap3A_202] {strides = array<i32>} : memref<16x16xf32, #tpu.memory_space<vmem>>, vector<16xf32>,
    tpu.vector_store %arg7[%swap3A_201, %swap3A_202], %scan3A_186#3 {strides = array<i32>} : memref<16x16xf32, #tpu.memory_space<vmem>>, vector<16xf32>,
    %add3A_204 = arith.constant 2 : i32
    %add3A_205 = arith.addi %add3A_168, %add3A_204 : i32
    %lt3A_206 = arith.constant 4 : i32
    %lt3A_207 = arith.cmpi slt, %add3A_205, %lt3A_206 : i32
    %convert_element_type3A_208 = arith.extui %lt3A_207 : i1 to i32
    %cond3A_209 = arith.constant 0 : i32
    %cond3A_210 = arith.cmpi ne, %convert_element_type3A_208, %cond3A_209 : i32
    scf.if %cond3A_210 {
      %add3A_346 = arith.constant 2 : i32
      %add3A_347 = arith.addi %add3A_168, %add3A_346 : i32
      %mul3A_348 = arith.constant 4 : i32
      %mul3A_349 = arith.muli %add3A_347, %mul3A_348 : i32
      %add3A_350 = arith.addi %mul3A_2, %mul3A_349 : i32
      %dma_start3A_351 = arith.constant 1 : i32
      %dma_start3A_352 = arith.constant 0 : i32
      %dma_start3A_353 = arith.constant 0 : i32
      %dma_start3A_354 = tpu.memref_slice %arg6[%dma_start3A_351, %dma_start3A_352, %dma_start3A_353] : memref<2x4x8192xf32, #tpu.memory_space<vmem>> -> memref<1x4x8192xf32, #tpu.memory_space<vmem>>
      %dma_start3A_355 = tpu.memref_squeeze %dma_start3A_354 : memref<1x4x8192xf32, #tpu.memory_space<vmem>> -> memref<4x8192xf32, #tpu.memory_space<vmem>>
      %dma_start3A_356 = arith.constant 0 : i32
      %dma_start3A_357 = tpu.memref_slice %arg3[%add3A_350, %dma_start3A_356] : memref<4096x8192xf32, #tpu.memory_space<hbm>> -> memref<4x8192xf32, #tpu.memory_space<hbm>>
      %dma_start3A_358 = arith.constant 0 : i32
      %dma_start3A_359 = arith.constant 0 : i32
      %dma_start3A_360 = tpu.memref_slice %arg6[%dma_start3A_351, %dma_start3A_358, %dma_start3A_359] : memref<2x4x8192xf32, #tpu.memory_space<vmem>> -> memref<1x4x8192xf32, #tpu.memory_space<vmem>>
      %dma_start3A_361 = tpu.memref_squeeze %dma_start3A_360 : memref<1x4x8192xf32, #tpu.memory_space<vmem>> -> memref<4x8192xf32, #tpu.memory_space<vmem>>
      %dma_start3A_362 = arith.constant 0 : i32
      %dma_start3A_363 = tpu.memref_slice %arg3[%add3A_350, %dma_start3A_362] : memref<4096x8192xf32, #tpu.memory_space<hbm>> -> memref<4x8192xf32, #tpu.memory_space<hbm>>
      tpu.enqueue_dma source(%dma_start3A_363 : memref<4x8192xf32, #tpu.memory_space<hbm>>) target(%dma_start3A_361 : memref<4x8192xf32, #tpu.memory_space<vmem>>) target_semaphore(%arg10 : memref<!tpu.dma_semaphore, #tpu.memory_space<semaphore_mem>>)
    } else {
    }
    %mul3A_211 = arith.constant 0 : i32
    %mul3A_212 = vector.broadcast %mul3A_211 : i32 to vector<16xi32>
    %mul3A_213 = arith.muli %iota3A, %mul3A_212 : vector<16xi32>
    %add3A_214 = arith.constant 0 : i32
    %add3A_215 = vector.broadcast %add3A_214 : i32 to vector<16xi32>
    %add3A_216 = arith.addi %mul3A_213, %add3A_215 : vector<16xi32>
    %gather3A = tpu.vector_load_idx %arg7[%iota3A, %add3A_216] : memref<16x16xf32, #tpu.memory_space<vmem>>[vector<16xi32>, vector<16xi32>], vector<16xf32>,
    %add3A_217 = arith.addf %broadcast_in_dim3A_30, %gather3A : vector<16xf32>
    %mul3A_218 = arith.constant 0 : i32
    %mul3A_219 = vector.broadcast %mul3A_218 : i32 to vector<16xi32>
    %mul3A_220 = arith.muli %iota3A, %mul3A_219 : vector<16xi32>
    %add3A_221 = arith.constant 1 : i32
    %add3A_222 = vector.broadcast %add3A_221 : i32 to vector<16xi32>
    %add3A_223 = arith.addi %mul3A_220, %add3A_222 : vector<16xi32>
    %gather3A_224 = tpu.vector_load_idx %arg7[%iota3A, %add3A_223] : memref<16x16xf32, #tpu.memory_space<vmem>>[vector<16xi32>, vector<16xi32>], vector<16xf32>,
    %add3A_225 = arith.addf %add3A_217, %gather3A_224 : vector<16xf32>
    %mul3A_226 = arith.constant 0 : i32
    %mul3A_227 = vector.broadcast %mul3A_226 : i32 to vector<16xi32>
    %mul3A_228 = arith.muli %iota3A, %mul3A_227 : vector<16xi32>
    %add3A_229 = arith.constant 2 : i32
    %add3A_230 = vector.broadcast %add3A_229 : i32 to vector<16xi32>
    %add3A_231 = arith.addi %mul3A_228, %add3A_230 : vector<16xi32>
    %gather3A_232 = tpu.vector_load_idx %arg7[%iota3A, %add3A_231] : memref<16x16xf32, #tpu.memory_space<vmem>>[vector<16xi32>, vector<16xi32>], vector<16xf32>,
    %add3A_233 = arith.addf %add3A_225, %gather3A_232 : vector<16xf32>
    %mul3A_234 = arith.constant 0 : i32
    %mul3A_235 = vector.broadcast %mul3A_234 : i32 to vector<16xi32>
    %mul3A_236 = arith.muli %iota3A, %mul3A_235 : vector<16xi32>
    %add3A_237 = arith.constant 3 : i32
    %add3A_238 = vector.broadcast %add3A_237 : i32 to vector<16xi32>
    %add3A_239 = arith.addi %mul3A_236, %add3A_238 : vector<16xi32>
    %gather3A_240 = tpu.vector_load_idx %arg7[%iota3A, %add3A_239] : memref<16x16xf32, #tpu.memory_space<vmem>>[vector<16xi32>, vector<16xi32>], vector<16xf32>,
    %add3A_241 = arith.addf %add3A_233, %gather3A_240 : vector<16xf32>
    %mul3A_242 = arith.constant 0 : i32
    %mul3A_243 = vector.broadcast %mul3A_242 : i32 to vector<16xi32>
    %mul3A_244 = arith.muli %iota3A, %mul3A_243 : vector<16xi32>
    %add3A_245 = arith.constant 4 : i32
    %add3A_246 = vector.broadcast %add3A_245 : i32 to vector<16xi32>
    %add3A_247 = arith.addi %mul3A_244, %add3A_246 : vector<16xi32>
    %gather3A_248 = tpu.vector_load_idx %arg7[%iota3A, %add3A_247] : memref<16x16xf32, #tpu.memory_space<vmem>>[vector<16xi32>, vector<16xi32>], vector<16xf32>,
    %add3A_249 = arith.addf %add3A_241, %gather3A_248 : vector<16xf32>
    %mul3A_250 = arith.constant 0 : i32
    %mul3A_251 = vector.broadcast %mul3A_250 : i32 to vector<16xi32>
    %mul3A_252 = arith.muli %iota3A, %mul3A_251 : vector<16xi32>
    %add3A_253 = arith.constant 5 : i32
    %add3A_254 = vector.broadcast %add3A_253 : i32 to vector<16xi32>
    %add3A_255 = arith.addi %mul3A_252, %add3A_254 : vector<16xi32>
    %gather3A_256 = tpu.vector_load_idx %arg7[%iota3A, %add3A_255] : memref<16x16xf32, #tpu.memory_space<vmem>>[vector<16xi32>, vector<16xi32>], vector<16xf32>,
    %add3A_257 = arith.addf %add3A_249, %gather3A_256 : vector<16xf32>
    %mul3A_258 = arith.constant 0 : i32
    %mul3A_259 = vector.broadcast %mul3A_258 : i32 to vector<16xi32>
    %mul3A_260 = arith.muli %iota3A, %mul3A_259 : vector<16xi32>
    %add3A_261 = arith.constant 6 : i32
    %add3A_262 = vector.broadcast %add3A_261 : i32 to vector<16xi32>
    %add3A_263 = arith.addi %mul3A_260, %add3A_262 : vector<16xi32>
    %gather3A_264 = tpu.vector_load_idx %arg7[%iota3A, %add3A_263] : memref<16x16xf32, #tpu.memory_space<vmem>>[vector<16xi32>, vector<16xi32>], vector<16xf32>,
    %add3A_265 = arith.addf %add3A_257, %gather3A_264 : vector<16xf32>
    %mul3A_266 = arith.constant 0 : i32
    %mul3A_267 = vector.broadcast %mul3A_266 : i32 to vector<16xi32>
    %mul3A_268 = arith.muli %iota3A, %mul3A_267 : vector<16xi32>
    %add3A_269 = arith.constant 7 : i32
    %add3A_270 = vector.broadcast %add3A_269 : i32 to vector<16xi32>
    %add3A_271 = arith.addi %mul3A_268, %add3A_270 : vector<16xi32>
    %gather3A_272 = tpu.vector_load_idx %arg7[%iota3A, %add3A_271] : memref<16x16xf32, #tpu.memory_space<vmem>>[vector<16xi32>, vector<16xi32>], vector<16xf32>,
    %add3A_273 = arith.addf %add3A_265, %gather3A_272 : vector<16xf32>
    %mul3A_274 = arith.constant 0 : i32
    %mul3A_275 = vector.broadcast %mul3A_274 : i32 to vector<16xi32>
    %mul3A_276 = arith.muli %iota3A, %mul3A_275 : vector<16xi32>
    %add3A_277 = arith.constant 8 : i32
    %add3A_278 = vector.broadcast %add3A_277 : i32 to vector<16xi32>
    %add3A_279 = arith.addi %mul3A_276, %add3A_278 : vector<16xi32>
    %gather3A_280 = tpu.vector_load_idx %arg7[%iota3A, %add3A_279] : memref<16x16xf32, #tpu.memory_space<vmem>>[vector<16xi32>, vector<16xi32>], vector<16xf32>,
    %add3A_281 = arith.addf %add3A_273, %gather3A_280 : vector<16xf32>
    %mul3A_282 = arith.constant 0 : i32
    %mul3A_283 = vector.broadcast %mul3A_282 : i32 to vector<16xi32>
    %mul3A_284 = arith.muli %iota3A, %mul3A_283 : vector<16xi32>
    %add3A_285 = arith.constant 9 : i32
    %add3A_286 = vector.broadcast %add3A_285 : i32 to vector<16xi32>
    %add3A_287 = arith.addi %mul3A_284, %add3A_286 : vector<16xi32>
    %gather3A_288 = tpu.vector_load_idx %arg7[%iota3A, %add3A_287] : memref<16x16xf32, #tpu.memory_space<vmem>>[vector<16xi32>, vector<16xi32>], vector<16xf32>,
    %add3A_289 = arith.addf %add3A_281, %gather3A_288 : vector<16xf32>
    %mul3A_290 = arith.constant 0 : i32
    %mul3A_291 = vector.broadcast %mul3A_290 : i32 to vector<16xi32>
    %mul3A_292 = arith.muli %iota3A, %mul3A_291 : vector<16xi32>
    %add3A_293 = arith.constant 10 : i32
    %add3A_294 = vector.broadcast %add3A_293 : i32 to vector<16xi32>
    %add3A_295 = arith.addi %mul3A_292, %add3A_294 : vector<16xi32>
    %gather3A_296 = tpu.vector_load_idx %arg7[%iota3A, %add3A_295] : memref<16x16xf32, #tpu.memory_space<vmem>>[vector<16xi32>, vector<16xi32>], vector<16xf32>,
    %add3A_297 = arith.addf %add3A_289, %gather3A_296 : vector<16xf32>
    %mul3A_298 = arith.constant 0 : i32
    %mul3A_299 = vector.broadcast %mul3A_298 : i32 to vector<16xi32>
    %mul3A_300 = arith.muli %iota3A, %mul3A_299 : vector<16xi32>
    %add3A_301 = arith.constant 11 : i32
    %add3A_302 = vector.broadcast %add3A_301 : i32 to vector<16xi32>
    %add3A_303 = arith.addi %mul3A_300, %add3A_302 : vector<16xi32>
    %gather3A_304 = tpu.vector_load_idx %arg7[%iota3A, %add3A_303] : memref<16x16xf32, #tpu.memory_space<vmem>>[vector<16xi32>, vector<16xi32>], vector<16xf32>,
    %add3A_305 = arith.addf %add3A_297, %gather3A_304 : vector<16xf32>
    %mul3A_306 = arith.constant 0 : i32
    %mul3A_307 = vector.broadcast %mul3A_306 : i32 to vector<16xi32>
    %mul3A_308 = arith.muli %iota3A, %mul3A_307 : vector<16xi32>
    %add3A_309 = arith.constant 12 : i32
    %add3A_310 = vector.broadcast %add3A_309 : i32 to vector<16xi32>
    %add3A_311 = arith.addi %mul3A_308, %add3A_310 : vector<16xi32>
    %gather3A_312 = tpu.vector_load_idx %arg7[%iota3A, %add3A_311] : memref<16x16xf32, #tpu.memory_space<vmem>>[vector<16xi32>, vector<16xi32>], vector<16xf32>,
    %add3A_313 = arith.addf %add3A_305, %gather3A_312 : vector<16xf32>
    %mul3A_314 = arith.constant 0 : i32
    %mul3A_315 = vector.broadcast %mul3A_314 : i32 to vector<16xi32>
    %mul3A_316 = arith.muli %iota3A, %mul3A_315 : vector<16xi32>
    %add3A_317 = arith.constant 13 : i32
    %add3A_318 = vector.broadcast %add3A_317 : i32 to vector<16xi32>
    %add3A_319 = arith.addi %mul3A_316, %add3A_318 : vector<16xi32>
    %gather3A_320 = tpu.vector_load_idx %arg7[%iota3A, %add3A_319] : memref<16x16xf32, #tpu.memory_space<vmem>>[vector<16xi32>, vector<16xi32>], vector<16xf32>,
    %add3A_321 = arith.addf %add3A_313, %gather3A_320 : vector<16xf32>
    %mul3A_322 = arith.constant 0 : i32
    %mul3A_323 = vector.broadcast %mul3A_322 : i32 to vector<16xi32>
    %mul3A_324 = arith.muli %iota3A, %mul3A_323 : vector<16xi32>
    %add3A_325 = arith.constant 14 : i32
    %add3A_326 = vector.broadcast %add3A_325 : i32 to vector<16xi32>
    %add3A_327 = arith.addi %mul3A_324, %add3A_326 : vector<16xi32>
    %gather3A_328 = tpu.vector_load_idx %arg7[%iota3A, %add3A_327] : memref<16x16xf32, #tpu.memory_space<vmem>>[vector<16xi32>, vector<16xi32>], vector<16xf32>,
    %add3A_329 = arith.addf %add3A_321, %gather3A_328 : vector<16xf32>
    %mul3A_330 = arith.constant 0 : i32
    %mul3A_331 = vector.broadcast %mul3A_330 : i32 to vector<16xi32>
    %mul3A_332 = arith.muli %iota3A, %mul3A_331 : vector<16xi32>
    %add3A_333 = arith.constant 15 : i32
    %add3A_334 = vector.broadcast %add3A_333 : i32 to vector<16xi32>
    %add3A_335 = arith.addi %mul3A_332, %add3A_334 : vector<16xi32>
    %gather3A_336 = tpu.vector_load_idx %arg7[%iota3A, %add3A_335] : memref<16x16xf32, #tpu.memory_space<vmem>>[vector<16xi32>, vector<16xi32>], vector<16xf32>,
    %add3A_337 = arith.addf %add3A_329, %gather3A_336 : vector<16xf32>
    %max3A = arith.constant 9.99999997E-7 : f32
    %max3A_338 = vector.broadcast %max3A : f32 to vector<16xf32>
    %max3A_339 = arith.maximumf %add3A_337, %max3A_338 : vector<16xf32>
    %mul3A_340 = arith.constant 16 : i32
    %mul3A_341 = arith.muli %scan3A_31, %mul3A_340 : i32
    %swap3A_342 = arith.index_cast %mul3A_341 : i32 to index
    %swap3A_343 = tpu.vector_load %arg8[%swap3A_342] {strides = array<i32>} : memref<16xf32, #tpu.memory_space<vmem>>, vector<16xf32>,
    tpu.vector_store %arg8[%swap3A_342], %max3A_339 {strides = array<i32>} : memref<16xf32, #tpu.memory_space<vmem>>, vector<16xf32>,
    %scan3A_344 = arith.constant 0 : i32
    %scan3A_345 = arith.constant 1 : i32
    "tpu.region"() ({
      %run_scoped3A = tpu.sem_alloc : memref<!tpu.dma_semaphore, #tpu.memory_space<semaphore_mem>>
      %dma_start3A_346 = tpu.memref_slice %arg4[%mul3A_2] : memref<512xf32, #tpu.memory_space<hbm>> -> memref<16xf32, #tpu.memory_space<hbm>>
      %dma_start3A_347 = tpu.memref_slice %arg4[%mul3A_2] : memref<512xf32, #tpu.memory_space<hbm>> -> memref<16xf32, #tpu.memory_space<hbm>>
      tpu.enqueue_dma source(%arg8 : memref<16xf32, #tpu.memory_space<vmem>>) target(%dma_start3A_347 : memref<16xf32, #tpu.memory_space<hbm>>) target_semaphore(%run_scoped3A : memref<!tpu.dma_semaphore, #tpu.memory_space<semaphore_mem>>)
      %dma_wait3A_348 = tpu.memref_slice %arg4[%mul3A_2] : memref<512xf32, #tpu.memory_space<hbm>> -> memref<16xf32, #tpu.memory_space<hbm>>
      %dma_wait3A_349 = tpu.memref_slice %arg4[%mul3A_2] : memref<512xf32, #tpu.memory_space<hbm>> -> memref<16xf32, #tpu.memory_space<hbm>>
      tpu.wait_dma2 semaphore(%run_scoped3A : memref<!tpu.dma_semaphore, #tpu.memory_space<semaphore_mem>>) src(%arg8 : memref<16xf32, #tpu.memory_space<vmem>>) dst(%dma_wait3A_349 : memref<16xf32, #tpu.memory_space<hbm>>)
      tpu.yield
    }) : () -> ()
    return
  }
}

module attributes {stable_mosaic.version = 14 : i64} {
  func.func @_tc_matvec_kernel(%arg0: i32, %arg1: memref<1x8192xf32, #tpu.memory_space<vmem>>, %arg2: memref<256x8192xf32, #tpu.memory_space<vmem>>, %arg3: memref<256x1xf32, #tpu.memory_space<vmem>>) attributes {dimension_semantics = [#tpu.dimension_semantics<arbitrary>], iteration_bounds = array<i64: 14>, scalar_prefetch = 0 : i64, scratch_operands = 0 : i64, tpu.core_type = #tpu.core_type<tc>, window_params = [{pipeline_mode = #tpu.pipeline_mode<synchronous>, transform_indices = @transform_0, window_bounds = array<i64: 1, 8192>}, {transform_indices = @transform_1, window_bounds = array<i64: 256, 8192>}, {transform_indices = @transform_2, window_bounds = array<i64: 256, 1>}]} {
    %get3A = arith.constant 0 : index
    %get3A_0 = arith.constant 0 : index
    %get3A_1 = vector.load %arg1[%get3A, %get3A_0] : memref<1x8192xf32, #tpu.memory_space<vmem>>, vector<1x8192xf32>
    %get3A_2 = vector.shape_cast %get3A_1 : vector<1x8192xf32> to vector<8192xf32>
    %reshape3A = vector.shape_cast %get3A_2 : vector<8192xf32> to vector<8192x1xf32>
    %get3A_3 = arith.constant 0 : index
    %get3A_4 = arith.constant 0 : index
    %get3A_5 = vector.load %arg2[%get3A_3, %get3A_4] : memref<256x8192xf32, #tpu.memory_space<vmem>>, vector<256x8192xf32>
    %dot_general3A = arith.constant dense<0.000000e+00> : vector<256x1xf32>
    %dot_general3A_6 = tpu.matmul %get3A_5, %reshape3A, %dot_general3A {dimension_numbers = #tpu.dot_dimension_numbers<[1], [0], [0], [1], [0, 0, 1, 1], [], []>, transpose_lhs_hint = false} : vector<256x8192xf32>, vector<8192x1xf32>, vector<256x1xf32> -> vector<256x1xf32>
    %max3A = arith.constant 9.99999997E-7 : f32
    %max3A_7 = vector.broadcast %max3A : f32 to vector<256x1xf32>
    %max3A_8 = arith.maximumf %dot_general3A_6, %max3A_7 : vector<256x1xf32>
    %swap3A = arith.constant 0 : index
    %swap3A_9 = arith.constant 0 : index
    %swap3A_10 = vector.load %arg3[%swap3A, %swap3A_9] : memref<256x1xf32, #tpu.memory_space<vmem>>, vector<256x1xf32>
    tpu.vector_store %arg3[%swap3A, %swap3A_9], %max3A_8 {strides = array<i32>} : memref<256x1xf32, #tpu.memory_space<vmem>>, vector<256x1xf32>,
    return
  }
  func.func @transform_0(%arg0: i32) -> (i32, i32) {
    %c0_i32 = arith.constant 0 : i32
    %c0_i32_0 = arith.constant 0 : i32
    %c0_i32_1 = arith.constant 0 : i32
    return %c0_i32, %c0_i32_0 : i32, i32
  }
  func.func @transform_1(%arg0: i32) -> (i32, i32) {
    %add3A = arith.constant 2 : i32
    %add3A_0 = arith.addi %add3A, %arg0 : i32
    %c0_i32 = arith.constant 0 : i32
    %c0_i32_1 = arith.constant 0 : i32
    return %add3A_0, %c0_i32 : i32, i32
  }
  func.func @transform_2(%arg0: i32) -> (i32, i32) {
    %c0_i32 = arith.constant 0 : i32
    %c0_i32_0 = arith.constant 0 : i32
    return %arg0, %c0_i32 : i32, i32
  }
}

module attributes {stable_mosaic.version = 14 : i64} {
  func.func @_flux_tc_kernel(%arg0: memref<1x2xf32, #tpu.memory_space<smem>>, %arg1: memref<2x8192xf32, #tpu.memory_space<vmem>>, %arg2: memref<1x8192xf32, #tpu.memory_space<vmem>>) attributes {dimension_semantics = [], scalar_prefetch = 0 : i64, scratch_operands = 0 : i64, tpu.core_type = #tpu.core_type<tc>} {
    %get3A = arith.constant 0 : index
    %get3A_0 = arith.constant 0 : index
    %get3A_1 = memref.load %arg0[%get3A, %get3A_0] : memref<1x2xf32, #tpu.memory_space<smem>>
    %get3A_2 = arith.constant 0 : index
    %get3A_3 = arith.constant 1 : index
    %get3A_4 = memref.load %arg0[%get3A_2, %get3A_3] : memref<1x2xf32, #tpu.memory_space<smem>>
    %sub3A = arith.constant 1.000000e+00 : f32
    %sub3A_5 = arith.subf %sub3A, %get3A_1 : f32
    %get3A_6 = arith.constant 0 : index
    %get3A_7 = arith.constant 0 : index
    %get3A_8 = vector.load %arg1[%get3A_6, %get3A_7] : memref<2x8192xf32, #tpu.memory_space<vmem>>, vector<1x8192xf32>
    %get3A_9 = vector.shape_cast %get3A_8 : vector<1x8192xf32> to vector<8192xf32>
    %get3A_10 = arith.constant 1 : index
    %get3A_11 = arith.constant 0 : index
    %get3A_12 = vector.load %arg1[%get3A_10, %get3A_11] : memref<2x8192xf32, #tpu.memory_space<vmem>>, vector<1x8192xf32>
    %get3A_13 = vector.shape_cast %get3A_12 : vector<1x8192xf32> to vector<8192xf32>
    %div3A = arith.divf %get3A_4, %sub3A_5 : f32
    %log3A = math.log %get3A_13 : vector<8192xf32>
    %mul3A = vector.broadcast %sub3A_5 : f32 to vector<8192xf32>
    %mul3A_14 = arith.mulf %mul3A, %log3A : vector<8192xf32>
    %exp3A = math.exp %mul3A_14 : vector<8192xf32>
    %log3A_15 = math.log %get3A_9 : vector<8192xf32>
    %mul3A_16 = vector.broadcast %sub3A_5 : f32 to vector<8192xf32>
    %mul3A_17 = arith.mulf %mul3A_16, %log3A_15 : vector<8192xf32>
    %exp3A_18 = math.exp %mul3A_17 : vector<8192xf32>
    %sub3A_19 = arith.subf %exp3A, %exp3A_18 : vector<8192xf32>
    %mul3A_20 = vector.broadcast %div3A : f32 to vector<8192xf32>
    %mul3A_21 = arith.mulf %mul3A_20, %sub3A_19 : vector<8192xf32>
    %swap3A = arith.constant 0 : index
    %swap3A_22 = arith.constant 0 : index
    %swap3A_23 = vector.load %arg2[%swap3A, %swap3A_22] : memref<1x8192xf32, #tpu.memory_space<vmem>>, vector<1x8192xf32>
    %swap3A_24 = vector.shape_cast %swap3A_23 : vector<1x8192xf32> to vector<8192xf32>
    %swap3A_25 = vector.shape_cast %mul3A_21 : vector<8192xf32> to vector<1x8192xf32>
    tpu.vector_store %arg2[%swap3A, %swap3A_22], %swap3A_25 {strides = array<i32>} : memref<1x8192xf32, #tpu.memory_space<vmem>>, vector<1x8192xf32>,
    return
  }
}

</mosaic_0001>

<sc_bundles>
// kernel: kernel.5.cloned.1.call-start
scs
__scs_entry_jumppad:
0x0: {  	(pc) =	sbr.rel $0x88, $3  }
0x1: {  	(tag) =	ssettag $0x0;
	lr =	simm.s32 $0x1  }
0x2: {  	[smem:$0x3F9E] =	sst lr;
	_ =	strace $0xD0000000  }
0x3: {  	_ = 	snop  }
0x4: {  	_ = 	snop  }
0x5: {  	_ = 	snop  }
0x6: {  	_ = 	snop  }
0x7: {  	_ = 	snop  }
__scs_overlays_trampoline_lowered:
0x8: {  	[smem:$0x3FAD] =	sst s0  }
0x9: {  	[smem:$0x3FAE] =	sst s1  }
0xa: {  	[smem:$0x3FAF] =	sst s2  }
0xb: {  	[smem:$0x3FB0] =	sst s3  }
0xc: {  	[smem:$0x3FB1] =	sst s4  }
0xd: {  	[smem:$0x3FB2] =	sst s5  }
0xe: {  	[smem:$0x3FB3] =	sst s6  }
0xf: {  	[smem:$0x3FB4] =	sst s7  }
0x10: {  	[smem:$0x3FB5] =	sst s8  }
0x11: {  	[smem:$0x3FB6] =	sst s9;
	s0 =	simm.s32 @!p0 $0x0  }
0x12: {  	s1 =	sld [smem:$0x3F9C];
	s0 =	simm.s32 @p0 $0x1  }
0x13: {  	[smem:$0x3FB7] =	sst s0;
	s0 =	simm.s32 @!p1 $0x0  }
0x14: {  	s2 =	sld [smem:$0x3F9B];
	s0 =	simm.s32 @p1 $0x1  }
0x15: {  	[smem:$0x3FB8] =	sst s0;
	s0 =	simm.s32 @!p2 $0x0  }
0x16: {  	s3 =	sld [smem:$0x3FDB];
	s0 =	simm.s32 @p2 $0x1  }
0x17: {  	s4 =	simm.s32 $0x1BF5;
	[smem:$0x3FBA] =	sst s0  }
0x18: {  	s0 =	sld [smem:$0x3F9D];
	_ =	swait.ge [sflag:s4], $0x0  }
0x19: {  	s7 =	sld [smem:$0x3F9E]  }
0x1a: {  	s8 =	sadd.s32 $0xFFFFE003, lr  }
0x1b: {  	s9 =	sadd.s32 $0xFFFFFEF7, lr;
	s5 =	simm.s32 $0xFFFFFFFF;
	p2 =	slt.u32 s8, $0xFFFFF086  }
0x1c: {  	p1 =	slt.u32 s9, $0xF7A;
	s5 =	simm.s32 @!p2 $0x0  }
0x1d: {  	s5 =	simm.s32 @p1 $0x1;
	p0 =	seq.s32 s7, s2  }
0x1e: {  	s7 =	smul.u32 @!p0 $0xF7A, s2;
	p2 =	seq.s32 @!p0 s5, $0x0  }
0x1f: {  	s9 =	smul.u32 $0xF7A, s1;
	s8 =	simm.s32 @!p0 $0x1BF5;
	p2 =	por !p2, p0  }
0x20: {  	[sflag:s8] =	ssyncset.s32 @!p0 $0xFFFFF086;
	s6 =	sadd.s32 @!p0 s3, s7;
	s7 =	simm.s32 @!p0 $0x108  }
0x21: {  	s3 =	sadd.s32 s3, s9;
	s6 =	sadd.s32 @!p0 $0x88, s6;
	s7 =	simm.s32 @p2 $0x1082  }
0x22: {  	[simem:s7], [sflag:s8] =	dma.local @!p0 [hbm:s6], $0xF7A  }
0x23: {  	s9 =	sor.u32 $0xD0000000, s2;
	s6 =	simm.s32 $0x108;
	_ =	swait.ge @!p0 [sflag:s8], $0x0  }
0x24: {  	s3 =	sadd.s32 $0x88, s3;
	s6 =	simm.s32 @!p1 $0x1082;
	[sflag:s4] =	ssyncset.s32 $0xFFFFF086  }
0x25: {  	[simem:s6], [sflag:s4] =	dma.local [hbm:s3], $0xF7A  }
0x26: {  	[smem:$0x3F9E] =	sst s1;
	(tag) =	ssettag s2;
	_ =	strace s9  }
0x27: {  	s1 =	sld [smem:$0x3FAE]  }
0x28: {  	s2 =	sld [smem:$0x3FAF]  }
0x29: {  	s4 =	sld [smem:$0x3FB1]  }
0x2a: {  	p0 =	seq.s32 s5, $0x0;
	s5 =	sld [smem:$0x3FB2]  }
0x2b: {  	s6 =	sld [smem:$0x3FB3]  }
0x2c: {  	s7 =	sld [smem:$0x3FB4]  }
0x2d: {  	s3 =	simm.s32 $0x108;
	s8 =	sld [smem:$0x3FB5]  }
0x2e: {  	s3 =	simm.s32 @!p0 $0x1082;
	s9 =	sld [smem:$0x3FB6]  }
0x2f: {  	lr =	sadd.s32 s0, s3;
	s0 =	sld [smem:$0x3FAD]  }
0x30: {  	s3 =	sld [smem:$0x3FB0]  }
0x31: {  	[smem:$0x3FB9] =	sst s10  }
0x32: {  	s10 =	sld [smem:$0x3FB7];
	_ =	sdelay $0x3  }
0x33: {  	p0 =	seq.s32 s10, $0x1;
	s10 =	sld [smem:$0x3FB9];
	_ =	sdelay $0x3  }
0x34: {  	[smem:$0x3FB9] =	sst s10  }
0x35: {  	s10 =	sld [smem:$0x3FB8];
	_ =	sdelay $0x3  }
0x36: {  	p1 =	seq.s32 s10, $0x1;
	s10 =	sld [smem:$0x3FB9];
	_ =	sdelay $0x3  }
0x37: {  	[smem:$0x3FB9] =	sst s10  }
0x38: {  	s10 =	sld [smem:$0x3FBA]  }
0x39: {  	_ = 	snop;
	(pc) =	sbr.ind lr, $3  }
0x3a: {  	_ = 	snop  }
0x3b: {  	_ = 	snop  }
0x3c: {  	p2 =	seq.s32 s10, $0x1;
	s10 =	sld [smem:$0x3FB9]  }
0x3d: {  	_ =	shalt  }
0x3e: {  	_ =	shalt  }
0x3f: {  	_ =	shalt  }
0x40: {  	_ =	shalt  }
0x41: {  	_ =	shalt  }
0x42: {  	_ =	shalt  }
0x43: {  	_ =	shalt  }
0x44: {  	_ =	shalt  }
0x45: {  	_ =	shalt  }
0x46: {  	_ =	shalt  }
0x47: {  	_ =	shalt  }
0x48: {  	_ =	shalt  }
0x49: {  	_ =	shalt  }
0x4a: {  	_ =	shalt  }
0x4b: {  	_ =	shalt  }
0x4c: {  	_ =	shalt  }
0x4d: {  	_ =	shalt  }
0x4e: {  	_ =	shalt  }
0x4f: {  	_ =	shalt  }
0x50: {  	_ =	shalt  }
0x51: {  	_ =	shalt  }
0x52: {  	_ =	shalt  }
0x53: {  	_ =	shalt  }
0x54: {  	_ =	shalt  }
0x55: {  	_ =	shalt  }
0x56: {  	_ =	shalt  }
0x57: {  	_ =	shalt  }
0x58: {  	_ =	shalt  }
0x59: {  	_ =	shalt  }
0x5a: {  	_ =	shalt  }
0x5b: {  	_ =	shalt  }
0x5c: {  	_ =	shalt  }
0x5d: {  	_ =	shalt  }
0x5e: {  	_ =	shalt  }
0x5f: {  	_ =	shalt  }
0x60: {  	_ =	shalt  }
0x61: {  	_ =	shalt  }
0x62: {  	_ =	shalt  }
0x63: {  	_ =	shalt  }
0x64: {  	_ =	shalt  }
0x65: {  	_ =	shalt  }
0x66: {  	_ =	shalt  }
0x67: {  	_ =	shalt  }
0x68: {  	_ =	shalt  }
0x69: {  	_ =	shalt  }
0x6a: {  	_ =	shalt  }
0x6b: {  	_ =	shalt  }
0x6c: {  	_ =	shalt  }
0x6d: {  	_ =	shalt  }
0x6e: {  	_ =	shalt  }
0x6f: {  	_ =	shalt  }
0x70: {  	_ =	shalt  }
0x71: {  	_ =	shalt  }
0x72: {  	_ =	shalt  }
0x73: {  	_ =	shalt  }
0x74: {  	_ =	shalt  }
0x75: {  	_ =	shalt  }
0x76: {  	_ =	shalt  }
0x77: {  	_ =	shalt  }
0x78: {  	_ =	shalt  }
0x79: {  	_ =	shalt  }
0x7a: {  	_ =	shalt  }
0x7b: {  	_ =	shalt  }
0x7c: {  	_ =	shalt  }
0x7d: {  	_ =	shalt  }
0x7e: {  	_ =	shalt  }
0x7f: {  	_ =	shalt  }
0x80: {  	_ =	shalt  }
0x81: {  	_ =	shalt  }
0x82: {  	_ =	shalt  }
0x83: {  	_ =	shalt  }
0x84: {  	_ =	shalt  }
0x85: {  	_ =	shalt  }
0x86: {  	_ =	shalt  }
0x87: {  	_ =	shalt  }
.Lfunc_end0:
.L_simem_size_0:
called_computation_lowered:
.L_overlay_start_0:
0x88: {  	s2 =	sld [smem:$0x3FD9]  }
0x89: {  	s3 =	sld [smem:$0x3FFE];
	_ =	sdelay $0x1  }
0x8a: {  	s1 =	srdreg.scid  }
0x8b: {  	s0 =	sand.u32 $0x1, s1  }
0x8c: {  	s17 =	sshll.u32 s0, $0xA;
	s2 =	sadd.s32 s3, s2  }
0x8d: {  	s2 =	sadd.s32 s2, s17  }
0x8e: {  	[smem:$0x3FC5] =	sst s2  }
0x8f: {  	_ = 	snop  }
0x90: {  	s2 =	sld [smem:$0x3FC7];
	(tm) =	ssettm $0x1  }
0x91: {  	s18 =	sld [smem:$0x3FFB];
	_ =	sdelay $0x3  }
0x92: {  	_ =	strace s18  }
0x93: {  	s3 =	sld [smem:$0x3FFC];
	_ =	sdelay $0x3  }
0x94: {  	_ =	strace s3  }
0x95: {  	s3 =	sld [smem:$0x3FFD];
	_ =	sdelay $0x3  }
0x96: {  	_ =	strace s3  }
0x97: {  	_ =	strace $0x8FFFFFFF  }
0x98: {  	s19 =	sld [smem:$0x3FDB];
	_ =	sdelay $0x1  }
0x99: {  	s4 =	simm.s32 $_scs_section_size  }
0x9a: {  	s5 =	simm.s32 $_size__tile_overlayer_lowered;
	s6 =	simm.s32 $_tile_overlayer_lowered  }
0x9b: {  	s22 =	simm.s32 $0x1BFF;
	s21 =	sshll.u32 s6, $0x1;
	s3 =	sadd.s32 s4, s19  }
0x9c: {  	s7 =	simm.s32 $0x0;
	s20 =	sshll.u32 s5, $0x1;
	s5 =	sadd.s32 s21, s3  }
0x9d: {  	[timem:s7], [sflag:s22] =	dma.local [hbm:s5], s20  }
0x9e: {  	_ =	swait.ge [sflag:s22], s20  }
0x9f: {  	s4 =	ssub.s32 $0x0, s20;
	[sflag:s22] =	ssyncset.done $0x0  }
0xa0: {  	[sflag:s22] =	ssyncadd.s32 s4;
	_ =	sdelay $0x1  }
0xa1: {  	s23 =	simm.s32 $0x1B8B  }
0xa2: {  	_ =	swait.ge [sflag:s23], $0x1  }
0xa3: {  	[sflag:s23] =	ssyncset.done $0x0  }
0xa4: {  	s25 =	simm.s32 $0x1B8E;
	s24 =	sld [smem:$0x3FFE];
	[sflag:s23] =	ssyncadd.s32 $0xFFFFFFFF  }
0xa5: {  	s26 =	simm.s32 $execute0_lowered;
	[smem:$0x3FD2] =	sst s25  }
0xa6: {  	s5 =	sshll.u32 s26, $0x1;
	_ =	strace $0x80000046;
	[dreg:$0x1] =	wrdreg $0xFFFFFFFF  }
0xa7: {  	s28 =	simm.s32 $_size_execute0_lowered;
	s3 =	sadd.s32 s3, s5;
	[dreg:$0x0] =	wrdreg $0x0  }
0xa8: {  	s5 =	sshll.u32 s28, $0x1;
	[dreg:$0x2] =	wrdreg s3  }
0xa9: {  	[dreg:$0x3] =	wrdreg s5  }
0xaa: {  	[dreg:$0x4] =	wrdreg $0xC0  }
0xab: {  	_ =	task [dreg:s7], $0x5FFFF  }
0xac: {  	[dreg:$0x1] =	wrdreg $0xFFFFFFFF  }
0xad: {  	[dreg:$0x0] =	wrdreg $0x60  }
0xae: {  	[dreg:$0x2] =	wrdreg s24  }
0xaf: {  	[dreg:$0x3] =	wrdreg s2  }
0xb0: {  	[dreg:$0x4] =	wrdreg $0x9  }
0xb1: {  	_ =	task.clear_ibuf [dreg:s7], $0x5FFFF;
	_ =	strace $0x90000046  }
0xb2: {  	s29 =	simm.s32 $0x9;
	_ =	strace $0x80000048  }
0xb3: {  	_ =	swait.ge [sflag:s29], $0x1  }
0xb4: {  	[sflag:s29] =	ssyncadd.s32 $0xFFFFFFFF  }
0xb5: {  	_ =	strace $0x90000048  }
0xb6: {  	_ =	sfence  }
0xb7: {  	s30 =	sld [smem:$0x0];
	_ =	sdelay $0x2  }
0xb8: {  	s31 =	sshll.u32 s1, $0xD;
	s1 =	sshrl.u32 s1, $0x2  }
0xb9: {  	s3 =	sand.u32 $0x4000, s31;
	s1 =	sadd.s32 s1, s30  }
0xba: {  	s0 =	sor.u32 s3, s0;
	s1 =	sshll.u32 s1, $0x11  }
0xbb: {  	s0 =	sor.u32 s1, s0  }
0xbc: {  	s0 =	sadd.s32 $0x8F2B, s0  }
0xbd: {  	[sflag:s0] =	ssyncadd.remote.s32 $0x1  }
0xbe: {  	_ =	sfence.sel $0xFFFF  }
0xbf: {  	[dreg:$0x0] =	wrdreg $0xFFFFFFFF;
	(pc) =	sbr.abs _section_cstart, $3  }
0xc0: {  	[dreg:$0x1] =	wrdreg $0xFFFFFFFF  }
0xc1: {  	_ =	task.clear_ibuf [dreg:s7], $0x2FFFF;
	_ =	strace $0x9FFFFFFF  }
0xc2: {  	(tm) =	ssettm $0x7FFFFFFF  }
0xc3: {  	_ =	shalt  }
tec
execute0_lowered:
.L_overlay_start_1:
0x0: {  	(tag) =	ssettag $0x1  }
0x1: {  	s4 =	rddreg [dreg:$0x0]  }
0x2: {  	s5 =	rddreg [dreg:$0x1];
	s2 =	simm.s32 $0x0;
	s3 =	srdreg.scid  }
0x3: {  	s1 =	stileid.u32;
	s10 =	simm.s32 $0x3;
	s11 =	simm.s32 $0x200  }
0x4: {  	s12 =	simm.s32 $0x400;
	s13 =	simm.s32 $0x2000;
	s14 =	simm.s32 $0xA000  }
0x5: {  	v0 =	vlaneseq.u32;
	s15 =	simm.s32 $0x1;
	s16 =	simm.s32 $0x2;
	s17 =	simm.s32 $0x12000  }
0x6: {  	s18 =	simm.s32 $0x12800;
	s19 =	simm.s32 $0x0;
	s6 =	sand.u32 $0x1, s3;
	v0 =	vmul.u32 $0x80, v0  }
0x7: {  	[smem:$0x7FF] =	sst s2;
	s7 =	sshll.u32 s1, $0x5;
	s8 =	sshll.u32 s6, $0x4  }
0x8: {  	s3 =	sadd.s32 $0x800, s4;
	s6 =	ssub.s32 $0x2, s6;
	s7 =	sor.u32 s8, s7;
	v1 =	vor.u32 $0x1, v0;
	v2 =	vor.u32 $0x2, v0;
	v3 =	vor.u32 $0x3, v0  }
0x9: {  	s9 =	sshrl.u32 s6, $0x1;
	v4 =	vor.u32 $0x4, v0;
	v5 =	vor.u32 $0x5, v0;
	v6 =	vor.u32 $0x6, v0;
	s8 =	sshrl.u32 s7, $0x3;
	s7 =	sshll.u32 s7, $0xA  }
0xa: {  	v7 =	vor.u32 $0x7, v0;
	v8 =	vor.u32 $0x8, v0;
	v9 =	vor.u32 $0x9, v0;
	s9 =	ssub.s32 s6, s9;
	s8 =	sadd.s32 s8, s4;
	s4 =	sadd.s32 s5, s7  }
0xb: {  	_ =	strace $0x80000047;
	v10 =	vor.u32 $0xA, v0;
	v11 =	vor.u32 $0xB, v0;
	v12 =	vor.u32 $0xC, v0;
	s9 =	smax.u32 s9, $0x1;
	s5 =	sadd.s32 $0x40, s4  }
0xc: {  	v13 =	vor.u32 $0xD, v0;
	v14 =	vor.u32 $0xE, v0;
	v15 =	vor.u32 $0xF, v0;
	s6 =	sadd.s32 $0x2000, s4;
	s7 =	sadd.s32 $0x2040, s4;
	s8 =	sadd.s32 $0xC00, s8  }
.LBB2_1:
0xd: {  	[tilespmem:s2], [sflag:$0x3] =	stream.linear.gather [hbm4b:s3+s2], $0x2000, $0x38;
	[tilespmem:$0x12880] =	vst v63  }
0xe: {  	_ =	swait.ge [sflag:s10], $0x2000  }
0xf: {  	[sflag:s10] =	ssyncset.done $0x0  }
0x10: {  	[sflag:s10] =	ssyncadd.s32 $0xFFFFE000  }
0x11: {  	[tilespmem:s13], [sflag:$0x1] =	stream.strided.gather [hbm4b:s4+s11], $0x8000, s12, s11, $0x38;
	[tilespmem:$0x12880] =	vst v63  }
0x12: {  	_ = 	snop  }
0x13: {  	[tilespmem:s14], [sflag:$0x2] =	stream.strided.gather [hbm4b:s5+s11], $0x8000, s12, s11, $0x38;
	[tilespmem:$0x12880] =	vst v63  }
0x14: {  	s20 =	sand.u32 $0x40, s2;
	_ =	swait.ge [sflag:s15], $0x8000  }
0x15: {  	s21 =	sand.u32 $0x1F80, s2;
	s22 =	simm.s32 $0x0;
	[sflag:s15] =	ssyncset.done $0x0  }
0x16: {  	s23 =	sand.u32 $0x7E00, s2;
	s24 =	sor.u32 $0x30, s20;
	[sflag:s15] =	ssyncadd.s32 $0xFFFF8000  }
0x17: {  	s0 =	sadd.s32 $0x2000, s23;
	s25 =	sor.u32 s24, s21;
	v18 =	vld [tilespmem:s22+$0x0]  }
0x18: {  	s26 =	sor.u32 s24, s0;
	v16 =	vld [tilespmem:s25+$0x0]  }
0x19: {  	s28 =	sor.u32 $0x20, s20;
	v20 =	vld [tilespmem:s26+$0x0]  }
0x1a: {  	s29 =	sor.u32 s28, s0;
	v22 =	vld [tilespmem:s26+$0x80]  }
0x1b: {  	s30 =	sor.u32 $0x10, s20;
	v23 =	vld [tilespmem:s29+$0x0]  }
0x1c: {  	s31 =	sor.u32 s30, s0;
	v24 =	vld [tilespmem:s29+$0x80]  }
0x1d: {  	v25 =	vld [tilespmem:s31+$0x0]  }
0x1e: {  	p0 =	por $0x0, $0x0;
	s23 =	simm.s32 $0x1;
	s20 =	sor.u32 s20, s0;
	v26 =	vld [tilespmem:s31+$0x80]  }
0x1f: {  	s23 =	simm.s32 @!p0 $0x0;
	v27 =	vld [tilespmem:s20+$0x0]  }
0x20: {  	s23 =	sshll.u32 s23, $0x6;
	s25 =	sor.u32 s28, s21;
	v34 =	vld [tilespmem:s20+$0x80]  }
0x21: {  	s0 =	sadd.s32 $0x0, s23;
	s21 =	sor.u32 s30, s21;
	v17 =	vld [tilespmem:s25+$0x0]  }
0x22: {  	s24 =	sor.u32 $0x100, s0;
	v19 =	vld [tilespmem:s21+$0x0]  }
0x23: {  	v31 =	vld [tilespmem:s24+$0x2000];
	s26 =	sadd.s32 $0x10, s0;
	s25 =	sor.u32 $0x180, s0  }
0x24: {  	s28 =	sor.u32 $0x100, s26;
	v35 =	vld [tilespmem:s25+$0x2000];
	v21 =	vmul.f32 v20, v16;
	v20 =	vmul.f32 v22, v16  }
0x25: {  	s30 =	sadd.s32 $0x20, s0;
	s29 =	sor.u32 $0x180, s26;
	v29 =	vld [tilespmem:s28+$0x2000];
	v37 =	vmul.f32 v27, v18;
	v36 =	vmul.f32 v34, v18  }
0x26: {  	s31 =	sor.u32 $0x100, s30;
	v28 =	vld [tilespmem:s29+$0x2000];
	v23 =	vmul.f32 v23, v17;
	v22 =	vmul.f32 v24, v17  }
0x27: {  	s20 =	simm.s32 $0x0;
	s24 =	sadd.s32 $0x30, s0;
	s22 =	sor.u32 $0x180, s30;
	v33 =	vld [tilespmem:s31+$0x2000];
	v27 =	vimm.f32 $0.0e+00;
	v32 =	vmul.f32 v25, v19;
	v30 =	vmul.f32 v26, v19  }
0x28: {  	s21 =	simm.s32 $0x100;
	s25 =	sor.u32 $0x100, s24;
	v34 =	vld [tilespmem:s22+$0x2000];
	s22 =	simm.s32 $0x40;
	v24 =	vimm.f32 $0.0e+00;
	v26 =	vimm.f32 $0.0e+00;
	v25 =	vimm.f32 $0.0e+00  }
.LBB2_2:
0x29: {  	s23 =	sand.u32 $0x40, s22;
	s26 =	sand.u32 $0x1F80, s22;
	v31 =	vmul.f32 v31, v18;
	v35 =	vmul.f32 v35, v18;
	v38 =	vld [tilespmem:s25+$0x2000];
	s24 =	sor.u32 $0x180, s24  }
0x2a: {  	s25 =	sshra.s32 s21, $0x2;
	s28 =	sand.u32 $0x7E00, s21;
	s29 =	sor.u32 $0x30, s23;
	v24 =	vadd.f32 v37, v24;
	v27 =	vadd.f32 v36, v27;
	v29 =	vmul.f32 v29, v19;
	v36 =	vld [tilespmem:s24+$0x2000]  }
0x2b: {  	s24 =	sadd.s32 $0x2000, s28;
	v18 =	vld [tilespmem:s25+$0x0];
	s25 =	sor.u32 s29, s26;
	v26 =	vadd.f32 v31, v26;
	v25 =	vadd.f32 v35, v25;
	v19 =	vmul.f32 v28, v19  }
0x2c: {  	v28 =	vld [tilespmem:s25+$0x0];
	s25 =	sor.u32 s29, s24;
	v24 =	vadd.f32 v32, v24;
	v27 =	vadd.f32 v30, v27;
	v30 =	vmul.f32 v33, v17  }
0x2d: {  	s28 =	sor.u32 $0x20, s23;
	v32 =	vld [tilespmem:s25+$0x0];
	v26 =	vadd.f32 v29, v26;
	v19 =	vadd.f32 v19, v25;
	v25 =	vmul.f32 v34, v17  }
0x2e: {  	s29 =	sor.u32 s28, s26;
	v33 =	vld [tilespmem:s25+$0x80];
	v23 =	vadd.f32 v23, v24;
	v22 =	vadd.f32 v22, v27;
	v29 =	vmul.f32 v38, v16  }
0x2f: {  	s25 =	sor.u32 s28, s24;
	v17 =	vld [tilespmem:s29+$0x0];
	v26 =	vadd.f32 v30, v26;
	v19 =	vadd.f32 v25, v19;
	v31 =	vmul.f32 v36, v16  }
0x30: {  	s28 =	sor.u32 $0x10, s23;
	v30 =	vld [tilespmem:s25+$0x0];
	v24 =	vadd.f32 v21, v23;
	v27 =	vadd.f32 v20, v22  }
0x31: {  	s26 =	sor.u32 s28, s26;
	v22 =	vld [tilespmem:s25+$0x80];
	v26 =	vadd.f32 v29, v26;
	v25 =	vadd.f32 v31, v19;
	v16 =	vmov v28  }
0x32: {  	p0 =	por !p0, !p0;
	s25 =	sor.u32 s28, s24;
	v19 =	vld [tilespmem:s26+$0x0];
	s26 =	simm.s32 $0x1  }
0x33: {  	s26 =	simm.s32 @!p0 $0x0;
	v34 =	vld [tilespmem:s25+$0x0]  }
0x34: {  	s20 =	sadd.s32 $0x4, s20;
	s23 =	sor.u32 s23, s24;
	s26 =	sshll.u32 s26, $0x6;
	v36 =	vld [tilespmem:s25+$0x80]  }
0x35: {  	p1 =	slt.u32 s20, $0x1FC;
	s24 =	sadd.s32 s26, s21;
	v37 =	vld [tilespmem:s23+$0x0]  }
0x36: {  	v38 =	vld [tilespmem:s23+$0x80];
	s23 =	sor.u32 $0x100, s24  }
0x37: {  	s25 =	sadd.s32 $0x10, s24;
	v31 =	vld [tilespmem:s23+$0x2000];
	s23 =	sor.u32 $0x180, s24  }
.Ltmp0:
0x38: {  	v35 =	vld [tilespmem:s23+$0x2000];
	s23 =	sor.u32 $0x100, s25;
	(pc) =	sbr.rel @p1 .LBB2_2-.Ltmp0, $4  }
0x39: {  	v21 =	vmul.f32 v32, v16;
	v20 =	vmul.f32 v33, v16;
	v29 =	vld [tilespmem:s23+$0x2000];
	s23 =	sor.u32 $0x180, s25;
	s25 =	sadd.s32 $0x20, s24  }
0x3a: {  	v23 =	vmul.f32 v30, v17;
	v22 =	vmul.f32 v22, v17;
	v28 =	vld [tilespmem:s23+$0x2000];
	s23 =	sor.u32 $0x100, s25  }
0x3b: {  	v32 =	vmul.f32 v34, v19;
	v30 =	vmul.f32 v36, v19;
	s24 =	sadd.s32 $0x30, s24;
	v33 =	vld [tilespmem:s23+$0x2000];
	s23 =	sor.u32 $0x180, s25  }
0x3c: {  	s22 =	sadd.s32 $0x40, s22;
	s21 =	sadd.s32 $0x100, s21;
	v37 =	vmul.f32 v37, v18;
	v36 =	vmul.f32 v38, v18;
	s25 =	sor.u32 $0x100, s24;
	v34 =	vld [tilespmem:s23+$0x2000]  }
0x3d: {  	_ = 	snop  }
0x3e: {  	v31 =	vmul.f32 v31, v18;
	v24 =	vadd.f32 v37, v24  }
0x3f: {  	v18 =	vmul.f32 v35, v18;
	v62 =	vld [tilespmem:s25+$0x2000];
	s20 =	sor.u32 $0x180, s24;
	v27 =	vadd.f32 v36, v27  }
0x40: {  	v29 =	vmul.f32 v29, v19;
	v63 =	vld [tilespmem:s20+$0x2000];
	v26 =	vadd.f32 v31, v26;
	v24 =	vadd.f32 v32, v24  }
0x41: {  	v18 =	vadd.f32 v18, v25;
	v19 =	vmul.f32 v28, v19;
	v25 =	vadd.f32 v30, v27  }
0x42: {  	v27 =	vmul.f32 v33, v17;
	v26 =	vadd.f32 v29, v26;
	v23 =	vadd.f32 v23, v24  }
0x43: {  	v18 =	vadd.f32 v19, v18;
	v17 =	vmul.f32 v34, v17;
	v19 =	vadd.f32 v22, v25  }
0x44: {  	v22 =	vmul.f32 v62, v16;
	v24 =	vadd.f32 v27, v26;
	v21 =	vadd.f32 v21, v23  }
0x45: {  	v17 =	vadd.f32 v17, v18;
	v16 =	vmul.f32 v63, v16;
	v18 =	vadd.f32 v20, v19  }
0x46: {  	v19 =	vadd.f32 v22, v24;
	[tilespmem:$0x12000] =	vst v21  }
0x47: {  	v16 =	vadd.f32 v16, v17;
	[tilespmem:$0x12080] =	vst v18  }
0x48: {  	[tilespmem:$0x12100] =	vst v19  }
0x49: {  	[tilespmem:$0x12180] =	vst v16  }
0x4a: {  	[tilespmem:s13], [sflag:$0x1] =	stream.strided.gather [hbm4b:s6+s11], $0x8000, s12, s11, $0x38;
	[tilespmem:$0x12880] =	vst v63  }
0x4b: {  	s26 =	simm.s32 $0x0;
	s23 =	simm.s32 $0x0;
	_ =	swait.ge [sflag:s16], $0x8000  }
0x4c: {  	s21 =	sand.u32 $0x40, s26;
	s22 =	sand.u32 $0x1F80, s26;
	[sflag:s16] =	ssyncset.done $0x0  }
0x4d: {  	s24 =	sand.u32 $0x7E00, s26;
	s20 =	sor.u32 $0x30, s21;
	[sflag:s16] =	ssyncadd.s32 $0xFFFF8000  }
0x4e: {  	s26 =	sadd.s32 $0xA080, s24;
	s28 =	sor.u32 s20, s22;
	v18 =	vld [tilespmem:s23+$0x0]  }
0x4f: {  	s30 =	sor.u32 s20, s26;
	s23 =	sadd.s32 $0xA000, s24;
	v16 =	vld [tilespmem:s28+$0x0]  }
0x50: {  	s28 =	sor.u32 $0x20, s21;
	v22 =	vld [tilespmem:s30+$0x0];
	s29 =	sor.u32 s20, s23  }
0x51: {  	s31 =	sor.u32 s28, s23;
	v20 =	vld [tilespmem:s29+$0x0]  }
0x52: {  	s0 =	sor.u32 s28, s26;
	v23 =	vld [tilespmem:s31+$0x0]  }
0x53: {  	s29 =	sor.u32 s28, s22;
	v24 =	vld [tilespmem:s0+$0x0]  }
0x54: {  	s31 =	sor.u32 s21, s26;
	v17 =	vld [tilespmem:s29+$0x0];
	s29 =	sor.u32 $0x10, s21  }
0x55: {  	v30 =	vld [tilespmem:s31+$0x0];
	s22 =	sor.u32 s29, s22  }
0x56: {  	s25 =	sor.u32 s29, s23;
	v19 =	vld [tilespmem:s22+$0x0]  }
0x57: {  	s23 =	sor.u32 s21, s23;
	v25 =	vld [tilespmem:s25+$0x0]  }
0x58: {  	s30 =	sor.u32 s29, s26;
	v27 =	vld [tilespmem:s23+$0x0];
	s23 =	sadd.s32 $0xA100, s24  }
0x59: {  	v26 =	vld [tilespmem:s30+$0x0];
	s25 =	sadd.s32 $0xA180, s24;
	s0 =	sor.u32 s21, s23  }
0x5a: {  	s21 =	sor.u32 s21, s25;
	v34 =	vld [tilespmem:s0+$0x0]  }
0x5b: {  	s26 =	sor.u32 s29, s23;
	v35 =	vld [tilespmem:s21+$0x0];
	v21 =	vmul.f32 v20, v16;
	v20 =	vmul.f32 v22, v16  }
0x5c: {  	s29 =	sor.u32 s29, s25;
	v31 =	vld [tilespmem:s26+$0x0];
	v23 =	vmul.f32 v23, v17;
	v22 =	vmul.f32 v24, v17  }
0x5d: {  	s30 =	sor.u32 s28, s23;
	v28 =	vld [tilespmem:s29+$0x0];
	v36 =	vmul.f32 v30, v18;
	v32 =	vmul.f32 v25, v19  }
0x5e: {  	s22 =	simm.s32 $0x100;
	s31 =	sor.u32 s28, s25;
	v33 =	vld [tilespmem:s30+$0x0];
	v24 =	vimm.f32 $0.0e+00;
	v29 =	vmul.f32 v26, v19;
	v37 =	vmul.f32 v27, v18  }
0x5f: {  	s21 =	simm.s32 $0x0;
	s26 =	sor.u32 s20, s23;
	s23 =	simm.s32 $0x40;
	v30 =	vld [tilespmem:s31+$0x0];
	v27 =	vimm.f32 $0.0e+00;
	v26 =	vimm.f32 $0.0e+00;
	v25 =	vimm.f32 $0.0e+00  }
.LBB2_4:
0x60: {  	s24 =	sand.u32 $0x40, s23;
	s28 =	sand.u32 $0x1F80, s23;
	v34 =	vmul.f32 v34, v18;
	v35 =	vmul.f32 v35, v18;
	v38 =	vld [tilespmem:s26+$0x0];
	s26 =	sor.u32 s20, s25  }
0x61: {  	s29 =	sshra.s32 s22, $0x2;
	s25 =	sand.u32 $0x7E00, s22;
	s20 =	sor.u32 $0x30, s24;
	v24 =	vadd.f32 v37, v24;
	v27 =	vadd.f32 v36, v27;
	v31 =	vmul.f32 v31, v19;
	v36 =	vld [tilespmem:s26+$0x0]  }
0x62: {  	v18 =	vld [tilespmem:s29+$0x0];
	s29 =	sadd.s32 $0xA000, s25;
	s26 =	sor.u32 s20, s28;
	v26 =	vadd.f32 v34, v26;
	v25 =	vadd.f32 v35, v25;
	v19 =	vmul.f32 v28, v19  }
0x63: {  	s30 =	sadd.s32 $0xA080, s25;
	v28 =	vld [tilespmem:s26+$0x0];
	s31 =	sor.u32 s20, s29;
	v24 =	vadd.f32 v32, v24;
	v27 =	vadd.f32 v29, v27;
	v29 =	vmul.f32 v33, v17  }
0x64: {  	s26 =	sor.u32 $0x20, s24;
	v32 =	vld [tilespmem:s31+$0x0];
	s31 =	sor.u32 s20, s30;
	v26 =	vadd.f32 v31, v26;
	v19 =	vadd.f32 v19, v25;
	v25 =	vmul.f32 v30, v17  }
0x65: {  	s0 =	sor.u32 s26, s28;
	v30 =	vld [tilespmem:s31+$0x0];
	v23 =	vadd.f32 v23, v24;
	v22 =	vadd.f32 v22, v27;
	v31 =	vmul.f32 v38, v16  }
0x66: {  	v17 =	vld [tilespmem:s0+$0x0];
	s0 =	sor.u32 s26, s29;
	v26 =	vadd.f32 v29, v26;
	v19 =	vadd.f32 v25, v19;
	v33 =	vmul.f32 v36, v16  }
0x67: {  	s31 =	sor.u32 $0x10, s24;
	v29 =	vld [tilespmem:s0+$0x0];
	s0 =	sor.u32 s26, s30;
	v24 =	vadd.f32 v21, v23;
	v27 =	vadd.f32 v20, v22  }
0x68: {  	s28 =	sor.u32 s31, s28;
	v22 =	vld [tilespmem:s0+$0x0];
	v26 =	vadd.f32 v31, v26;
	v25 =	vadd.f32 v33, v19;
	v16 =	vmov v28  }
0x69: {  	s0 =	sor.u32 s31, s29;
	v19 =	vld [tilespmem:s28+$0x0]  }
0x6a: {  	v33 =	vld [tilespmem:s0+$0x0];
	s0 =	sor.u32 s31, s30  }
0x6b: {  	s28 =	sor.u32 s24, s29;
	v36 =	vld [tilespmem:s0+$0x0]  }
0x6c: {  	s21 =	sadd.s32 $0x4, s21;
	s0 =	sor.u32 s24, s30;
	v37 =	vld [tilespmem:s28+$0x0];
	s28 =	sadd.s32 $0xA100, s25  }
0x6d: {  	p0 =	slt.u32 s21, $0x1FC;
	s25 =	sadd.s32 $0xA180, s25;
	v38 =	vld [tilespmem:s0+$0x0];
	s0 =	sor.u32 s24, s28  }
0x6e: {  	v34 =	vld [tilespmem:s0+$0x0];
	s0 =	sor.u32 s24, s25  }
.Ltmp1:
0x6f: {  	v35 =	vld [tilespmem:s0+$0x0];
	s0 =	sor.u32 s31, s28;
	(pc) =	sbr.rel @p0 .LBB2_4-.Ltmp1, $4  }
0x70: {  	v21 =	vmul.f32 v32, v16;
	v20 =	vmul.f32 v30, v16;
	v31 =	vld [tilespmem:s0+$0x0];
	s0 =	sor.u32 s31, s25  }
0x71: {  	v23 =	vmul.f32 v29, v17;
	v22 =	vmul.f32 v22, v17;
	v28 =	vld [tilespmem:s0+$0x0];
	s0 =	sor.u32 s26, s28  }
0x72: {  	v32 =	vmul.f32 v33, v19;
	v29 =	vmul.f32 v36, v19;
	v33 =	vld [tilespmem:s0+$0x0];
	s0 =	sor.u32 s26, s25  }
0x73: {  	s22 =	sadd.s32 $0x100, s22;
	s23 =	sadd.s32 $0x40, s23;
	v37 =	vmul.f32 v37, v18;
	v36 =	vmul.f32 v38, v18;
	s26 =	sor.u32 s20, s28;
	v30 =	vld [tilespmem:s0+$0x0]  }
0x74: {  	_ = 	snop  }
0x75: {  	v34 =	vmul.f32 v34, v18;
	v24 =	vadd.f32 v37, v24  }
0x76: {  	v18 =	vmul.f32 v35, v18;
	v61 =	vld [tilespmem:s26+$0x0];
	s0 =	sor.u32 s20, s25;
	v27 =	vadd.f32 v36, v27  }
0x77: {  	v31 =	vmul.f32 v31, v19;
	v62 =	vld [tilespmem:s0+$0x0];
	v26 =	vadd.f32 v34, v26;
	v24 =	vadd.f32 v32, v24  }
0x78: {  	v18 =	vadd.f32 v18, v25;
	v19 =	vmul.f32 v28, v19;
	v25 =	vadd.f32 v29, v27  }
0x79: {  	v27 =	vmul.f32 v33, v17;
	v26 =	vadd.f32 v31, v26;
	v23 =	vadd.f32 v23, v24  }
0x7a: {  	v18 =	vadd.f32 v19, v18;
	v17 =	vmul.f32 v30, v17;
	v19 =	vadd.f32 v22, v25  }
0x7b: {  	v22 =	vmul.f32 v61, v16;
	v24 =	vadd.f32 v27, v26;
	v21 =	vadd.f32 v21, v23  }
0x7c: {  	v17 =	vadd.f32 v17, v18;
	v16 =	vmul.f32 v62, v16;
	v18 =	vadd.f32 v20, v19  }
0x7d: {  	v19 =	vadd.f32 v22, v24;
	[tilespmem:$0x12200] =	vst v21  }
0x7e: {  	v16 =	vadd.f32 v16, v17;
	[tilespmem:$0x12280] =	vst v18  }
0x7f: {  	[tilespmem:$0x12300] =	vst v19  }
0x80: {  	[tilespmem:$0x12380] =	vst v16  }
0x81: {  	[tilespmem:s14], [sflag:$0x2] =	stream.strided.gather [hbm4b:s7+s11], $0x8000, s12, s11, $0x38;
	[tilespmem:$0x12880] =	vst v63  }
0x82: {  	s24 =	simm.s32 $0x0;
	s22 =	simm.s32 $0x0;
	_ =	swait.ge [sflag:s15], $0x8000  }
0x83: {  	s20 =	sand.u32 $0x40, s24;
	s21 =	sand.u32 $0x1F80, s24;
	[sflag:s15] =	ssyncset.done $0x0  }
0x84: {  	s0 =	sand.u32 $0x7E00, s24;
	s23 =	sor.u32 $0x30, s20;
	[sflag:s15] =	ssyncadd.s32 $0xFFFF8000  }
0x85: {  	s0 =	sadd.s32 $0x2000, s0;
	s25 =	sor.u32 s23, s21;
	v18 =	vld [tilespmem:s22+$0x0]  }
0x86: {  	s26 =	sor.u32 s23, s0;
	v16 =	vld [tilespmem:s25+$0x0]  }
0x87: {  	s28 =	sor.u32 $0x20, s20;
	v20 =	vld [tilespmem:s26+$0x0]  }
0x88: {  	s24 =	sor.u32 s28, s21;
	v22 =	vld [tilespmem:s26+$0x80]  }
0x89: {  	s29 =	sor.u32 s28, s0;
	v17 =	vld [tilespmem:s24+$0x0]  }
0x8a: {  	s30 =	sor.u32 $0x10, s20;
	v23 =	vld [tilespmem:s29+$0x0]  }
0x8b: {  	s21 =	sor.u32 s30, s21;
	v24 =	vld [tilespmem:s29+$0x80]  }
0x8c: {  	p0 =	por $0x0, $0x0;
	s31 =	sor.u32 s30, s0;
	v19 =	vld [tilespmem:s21+$0x0];
	s22 =	simm.s32 $0x1  }
0x8d: {  	v25 =	vld [tilespmem:s31+$0x0];
	s22 =	simm.s32 @!p0 $0x0  }
0x8e: {  	s0 =	sor.u32 s20, s0;
	v26 =	vld [tilespmem:s31+$0x80];
	s22 =	sshll.u32 s22, $0x6  }
0x8f: {  	v27 =	vld [tilespmem:s0+$0x0];
	s23 =	sadd.s32 $0x0, s22  }
0x90: {  	v63 =	vld [tilespmem:s0+$0x80];
	s24 =	sor.u32 $0x100, s23  }
0x91: {  	s25 =	sor.u32 $0x180, s23;
	s26 =	sadd.s32 $0x10, s23;
	v31 =	vld [tilespmem:s24+$0x2000]  }
0x92: {  	v35 =	vld [tilespmem:s25+$0x2000];
	s28 =	sor.u32 $0x100, s26;
	v21 =	vmul.f32 v20, v16;
	v20 =	vmul.f32 v22, v16  }
0x93: {  	s22 =	sadd.s32 $0x20, s23;
	s29 =	sor.u32 $0x180, s26;
	v23 =	vmul.f32 v23, v17;
	v22 =	vmul.f32 v24, v17;
	v29 =	vld [tilespmem:s28+$0x2000]  }
0x94: {  	s30 =	sor.u32 $0x100, s22;
	v32 =	vmul.f32 v25, v19;
	v30 =	vmul.f32 v26, v19;
	v28 =	vld [tilespmem:s29+$0x2000]  }
0x95: {  	s20 =	simm.s32 $0x0;
	v24 =	vimm.f32 $0.0e+00;
	s31 =	sor.u32 $0x180, s22;
	s24 =	sadd.s32 $0x30, s23;
	v37 =	vmul.f32 v27, v18;
	v36 =	vmul.f32 v63, v18;
	v33 =	vld [tilespmem:s30+$0x2000]  }
0x96: {  	s21 =	simm.s32 $0x100;
	s22 =	simm.s32 $0x40;
	v27 =	vimm.f32 $0.0e+00;
	v26 =	vimm.f32 $0.0e+00;
	v25 =	vimm.f32 $0.0e+00;
	v34 =	vld [tilespmem:s31+$0x2000];
	s25 =	sor.u32 $0x100, s24  }
.LBB2_6:
0x97: {  	s23 =	sand.u32 $0x40, s22;
	s0 =	sand.u32 $0x1F80, s22;
	v31 =	vmul.f32 v31, v18;
	v35 =	vmul.f32 v35, v18;
	v38 =	vld [tilespmem:s25+$0x2000];
	s24 =	sor.u32 $0x180, s24  }
0x98: {  	s25 =	sshra.s32 s21, $0x2;
	s26 =	sand.u32 $0x7E00, s21;
	s28 =	sor.u32 $0x30, s23;
	v24 =	vadd.f32 v37, v24;
	v27 =	vadd.f32 v36, v27;
	v29 =	vmul.f32 v29, v19;
	v36 =	vld [tilespmem:s24+$0x2000]  }
0x99: {  	s24 =	sadd.s32 $0x2000, s26;
	v18 =	vld [tilespmem:s25+$0x0];
	s25 =	sor.u32 s28, s0;
	v26 =	vadd.f32 v31, v26;
	v25 =	vadd.f32 v35, v25;
	v19 =	vmul.f32 v28, v19  }
0x9a: {  	v28 =	vld [tilespmem:s25+$0x0];
	s25 =	sor.u32 s28, s24;
	v24 =	vadd.f32 v32, v24;
	v27 =	vadd.f32 v30, v27;
	v30 =	vmul.f32 v33, v17  }
0x9b: {  	s26 =	sor.u32 $0x20, s23;
	v32 =	vld [tilespmem:s25+$0x0];
	v26 =	vadd.f32 v29, v26;
	v19 =	vadd.f32 v19, v25;
	v25 =	vmul.f32 v34, v17  }
0x9c: {  	s28 =	sor.u32 s26, s0;
	v33 =	vld [tilespmem:s25+$0x80];
	v23 =	vadd.f32 v23, v24;
	v22 =	vadd.f32 v22, v27;
	v29 =	vmul.f32 v38, v16  }
0x9d: {  	s25 =	sor.u32 s26, s24;
	v17 =	vld [tilespmem:s28+$0x0];
	v26 =	vadd.f32 v30, v26;
	v19 =	vadd.f32 v25, v19;
	v31 =	vmul.f32 v36, v16  }
0x9e: {  	s26 =	sor.u32 $0x10, s23;
	v30 =	vld [tilespmem:s25+$0x0];
	v24 =	vadd.f32 v21, v23;
	v27 =	vadd.f32 v20, v22  }
0x9f: {  	s0 =	sor.u32 s26, s0;
	v22 =	vld [tilespmem:s25+$0x80];
	v26 =	vadd.f32 v29, v26;
	v25 =	vadd.f32 v31, v19;
	v16 =	vmov v28  }
0xa0: {  	p0 =	por !p0, !p0;
	s25 =	simm.s32 $0x1;
	v19 =	vld [tilespmem:s0+$0x0];
	s0 =	sor.u32 s26, s24  }
0xa1: {  	s25 =	simm.s32 @!p0 $0x0;
	v34 =	vld [tilespmem:s0+$0x0]  }
0xa2: {  	s20 =	sadd.s32 $0x4, s20;
	s23 =	sor.u32 s23, s24;
	s25 =	sshll.u32 s25, $0x6;
	v36 =	vld [tilespmem:s0+$0x80]  }
0xa3: {  	p1 =	slt.u32 s20, $0x1FC;
	s0 =	sadd.s32 s25, s21;
	v37 =	vld [tilespmem:s23+$0x0]  }
0xa4: {  	v38 =	vld [tilespmem:s23+$0x80];
	s23 =	sor.u32 $0x100, s0  }
0xa5: {  	s24 =	sadd.s32 $0x10, s0;
	v31 =	vld [tilespmem:s23+$0x2000];
	s23 =	sor.u32 $0x180, s0  }
.Ltmp2:
0xa6: {  	v35 =	vld [tilespmem:s23+$0x2000];
	s23 =	sor.u32 $0x100, s24;
	(pc) =	sbr.rel @p1 .LBB2_6-.Ltmp2, $4  }
0xa7: {  	v21 =	vmul.f32 v32, v16;
	v20 =	vmul.f32 v33, v16;
	v29 =	vld [tilespmem:s23+$0x2000];
	s23 =	sor.u32 $0x180, s24;
	s24 =	sadd.s32 $0x20, s0  }
0xa8: {  	v23 =	vmul.f32 v30, v17;
	v22 =	vmul.f32 v22, v17;
	v28 =	vld [tilespmem:s23+$0x2000];
	s23 =	sor.u32 $0x100, s24  }
0xa9: {  	v32 =	vmul.f32 v34, v19;
	v30 =	vmul.f32 v36, v19;
	v33 =	vld [tilespmem:s23+$0x2000];
	s23 =	sor.u32 $0x180, s24;
	s24 =	sadd.s32 $0x30, s0  }
0xaa: {  	s22 =	sadd.s32 $0x40, s22;
	s21 =	sadd.s32 $0x100, s21;
	v37 =	vmul.f32 v37, v18;
	v36 =	vmul.f32 v38, v18;
	v34 =	vld [tilespmem:s23+$0x2000];
	s25 =	sor.u32 $0x100, s24  }
0xab: {  	_ = 	snop  }
0xac: {  	v31 =	vmul.f32 v31, v18;
	v24 =	vadd.f32 v37, v24  }
0xad: {  	v18 =	vmul.f32 v35, v18;
	v62 =	vld [tilespmem:s25+$0x2000];
	s0 =	sor.u32 $0x180, s24;
	v27 =	vadd.f32 v36, v27  }
0xae: {  	v29 =	vmul.f32 v29, v19;
	v63 =	vld [tilespmem:s0+$0x2000];
	v26 =	vadd.f32 v31, v26;
	v24 =	vadd.f32 v32, v24  }
0xaf: {  	v18 =	vadd.f32 v18, v25;
	v19 =	vmul.f32 v28, v19;
	v25 =	vadd.f32 v30, v27  }
0xb0: {  	v27 =	vmul.f32 v33, v17;
	v26 =	vadd.f32 v29, v26;
	v23 =	vadd.f32 v23, v24  }
0xb1: {  	v18 =	vadd.f32 v19, v18;
	v17 =	vmul.f32 v34, v17;
	v19 =	vadd.f32 v22, v25  }
0xb2: {  	v22 =	vmul.f32 v62, v16;
	v24 =	vadd.f32 v27, v26;
	v21 =	vadd.f32 v21, v23  }
0xb3: {  	v17 =	vadd.f32 v17, v18;
	v16 =	vmul.f32 v63, v16;
	v18 =	vadd.f32 v20, v19  }
0xb4: {  	v19 =	vadd.f32 v22, v24;
	[tilespmem:$0x12400] =	vst v21  }
0xb5: {  	v16 =	vadd.f32 v16, v17;
	[tilespmem:$0x12480] =	vst v18  }
0xb6: {  	[tilespmem:$0x12500] =	vst v19  }
0xb7: {  	[tilespmem:$0x12580] =	vst v16  }
0xb8: {  	s25 =	simm.s32 $0x0;
	s23 =	simm.s32 $0x0;
	_ =	swait.ge [sflag:s16], $0x8000  }
0xb9: {  	s21 =	sand.u32 $0x40, s25;
	s22 =	sand.u32 $0x1F80, s25;
	[sflag:s16] =	ssyncset.done $0x0  }
0xba: {  	s0 =	sand.u32 $0x7E00, s25;
	s20 =	sor.u32 $0x30, s21;
	[sflag:s16] =	ssyncadd.s32 $0xFFFF8000  }
0xbb: {  	s25 =	sadd.s32 $0xA080, s0;
	s26 =	sor.u32 s20, s22;
	v18 =	vld [tilespmem:s23+$0x0]  }
0xbc: {  	s29 =	sor.u32 s20, s25;
	s23 =	sadd.s32 $0xA000, s0;
	v16 =	vld [tilespmem:s26+$0x0]  }
0xbd: {  	s26 =	sor.u32 $0x20, s21;
	v22 =	vld [tilespmem:s29+$0x0];
	s28 =	sor.u32 s20, s23  }
0xbe: {  	s30 =	sor.u32 s26, s23;
	v20 =	vld [tilespmem:s28+$0x0]  }
0xbf: {  	s31 =	sor.u32 s26, s25;
	v23 =	vld [tilespmem:s30+$0x0]  }
0xc0: {  	s28 =	sor.u32 s26, s22;
	v24 =	vld [tilespmem:s31+$0x0]  }
0xc1: {  	s30 =	sor.u32 s21, s25;
	v17 =	vld [tilespmem:s28+$0x0];
	s28 =	sor.u32 $0x10, s21  }
0xc2: {  	v30 =	vld [tilespmem:s30+$0x0];
	s22 =	sor.u32 s28, s22  }
0xc3: {  	s24 =	sor.u32 s28, s23;
	v19 =	vld [tilespmem:s22+$0x0]  }
0xc4: {  	s29 =	sor.u32 s28, s25;
	v25 =	vld [tilespmem:s24+$0x0]  }
0xc5: {  	s23 =	sor.u32 s21, s23;
	s25 =	sadd.s32 $0xA180, s0;
	v26 =	vld [tilespmem:s29+$0x0]  }
0xc6: {  	v27 =	vld [tilespmem:s23+$0x0];
	s23 =	sadd.s32 $0xA100, s0;
	s0 =	sor.u32 s21, s25  }
0xc7: {  	s31 =	sor.u32 s21, s23;
	v35 =	vld [tilespmem:s0+$0x0]  }
0xc8: {  	s24 =	sor.u32 s28, s23;
	v34 =	vld [tilespmem:s31+$0x0];
	v21 =	vmul.f32 v20, v16;
	v20 =	vmul.f32 v22, v16  }
0xc9: {  	s29 =	sor.u32 s28, s25;
	v31 =	vld [tilespmem:s24+$0x0];
	v23 =	vmul.f32 v23, v17;
	v22 =	vmul.f32 v24, v17  }
0xca: {  	v28 =	vld [tilespmem:s29+$0x0];
	s30 =	sor.u32 s26, s23;
	v36 =	vmul.f32 v30, v18;
	v32 =	vmul.f32 v25, v19  }
0xcb: {  	s22 =	simm.s32 $0x100;
	v33 =	vld [tilespmem:s30+$0x0];
	s31 =	sor.u32 s26, s25;
	v24 =	vimm.f32 $0.0e+00;
	v29 =	vmul.f32 v26, v19;
	v37 =	vmul.f32 v27, v18  }
0xcc: {  	s21 =	simm.s32 $0x0;
	s26 =	sor.u32 s20, s23;
	s23 =	simm.s32 $0x40;
	v30 =	vld [tilespmem:s31+$0x0];
	v27 =	vimm.f32 $0.0e+00;
	v26 =	vimm.f32 $0.0e+00;
	v25 =	vimm.f32 $0.0e+00  }
.LBB2_8:
0xcd: {  	s24 =	sand.u32 $0x40, s23;
	s0 =	sand.u32 $0x1F80, s23;
	v34 =	vmul.f32 v34, v18;
	v35 =	vmul.f32 v35, v18;
	v38 =	vld [tilespmem:s26+$0x0];
	s26 =	sor.u32 s20, s25  }
0xce: {  	s28 =	sshra.s32 s22, $0x2;
	s25 =	sand.u32 $0x7E00, s22;
	s20 =	sor.u32 $0x30, s24;
	v24 =	vadd.f32 v37, v24;
	v27 =	vadd.f32 v36, v27;
	v31 =	vmul.f32 v31, v19;
	v36 =	vld [tilespmem:s26+$0x0]  }
0xcf: {  	v18 =	vld [tilespmem:s28+$0x0];
	s28 =	sadd.s32 $0xA000, s25;
	s26 =	sor.u32 s20, s0;
	v26 =	vadd.f32 v34, v26;
	v25 =	vadd.f32 v35, v25;
	v19 =	vmul.f32 v28, v19  }
0xd0: {  	s29 =	sadd.s32 $0xA080, s25;
	v28 =	vld [tilespmem:s26+$0x0];
	s30 =	sor.u32 s20, s28;
	v24 =	vadd.f32 v32, v24;
	v27 =	vadd.f32 v29, v27;
	v29 =	vmul.f32 v33, v17  }
0xd1: {  	s26 =	sor.u32 $0x20, s24;
	v32 =	vld [tilespmem:s30+$0x0];
	s30 =	sor.u32 s20, s29;
	v26 =	vadd.f32 v31, v26;
	v19 =	vadd.f32 v19, v25;
	v25 =	vmul.f32 v30, v17  }
0xd2: {  	s31 =	sor.u32 s26, s0;
	v30 =	vld [tilespmem:s30+$0x0];
	v23 =	vadd.f32 v23, v24;
	v22 =	vadd.f32 v22, v27;
	v31 =	vmul.f32 v38, v16  }
0xd3: {  	s30 =	sor.u32 s26, s28;
	v17 =	vld [tilespmem:s31+$0x0];
	v26 =	vadd.f32 v29, v26;
	v19 =	vadd.f32 v25, v19;
	v33 =	vmul.f32 v36, v16  }
0xd4: {  	s31 =	sor.u32 $0x10, s24;
	v29 =	vld [tilespmem:s30+$0x0];
	s30 =	sor.u32 s26, s29;
	v24 =	vadd.f32 v21, v23;
	v27 =	vadd.f32 v20, v22  }
0xd5: {  	s0 =	sor.u32 s31, s0;
	v22 =	vld [tilespmem:s30+$0x0];
	v26 =	vadd.f32 v31, v26;
	v25 =	vadd.f32 v33, v19;
	v16 =	vmov v28  }
0xd6: {  	v19 =	vld [tilespmem:s0+$0x0];
	s0 =	sor.u32 s31, s28  }
0xd7: {  	v33 =	vld [tilespmem:s0+$0x0];
	s0 =	sor.u32 s31, s29  }
0xd8: {  	s28 =	sor.u32 s24, s28;
	v36 =	vld [tilespmem:s0+$0x0]  }
0xd9: {  	s21 =	sadd.s32 $0x4, s21;
	s0 =	sor.u32 s24, s29;
	v37 =	vld [tilespmem:s28+$0x0];
	s28 =	sadd.s32 $0xA100, s25  }
0xda: {  	p0 =	slt.u32 s21, $0x1FC;
	s25 =	sadd.s32 $0xA180, s25;
	v38 =	vld [tilespmem:s0+$0x0];
	s0 =	sor.u32 s24, s28  }
0xdb: {  	v34 =	vld [tilespmem:s0+$0x0];
	s0 =	sor.u32 s24, s25  }
.Ltmp3:
0xdc: {  	v35 =	vld [tilespmem:s0+$0x0];
	s0 =	sor.u32 s31, s28;
	(pc) =	sbr.rel @p0 .LBB2_8-.Ltmp3, $4  }
0xdd: {  	v21 =	vmul.f32 v32, v16;
	v20 =	vmul.f32 v30, v16;
	v31 =	vld [tilespmem:s0+$0x0];
	s0 =	sor.u32 s31, s25  }
0xde: {  	v23 =	vmul.f32 v29, v17;
	v22 =	vmul.f32 v22, v17;
	v28 =	vld [tilespmem:s0+$0x0];
	s0 =	sor.u32 s26, s28  }
0xdf: {  	v32 =	vmul.f32 v33, v19;
	v29 =	vmul.f32 v36, v19;
	v33 =	vld [tilespmem:s0+$0x0];
	s0 =	sor.u32 s26, s25  }
0xe0: {  	s22 =	sadd.s32 $0x100, s22;
	s23 =	sadd.s32 $0x40, s23;
	v37 =	vmul.f32 v37, v18;
	v36 =	vmul.f32 v38, v18;
	s26 =	sor.u32 s20, s28;
	v30 =	vld [tilespmem:s0+$0x0]  }
0xe1: {  	_ = 	snop  }
0xe2: {  	v34 =	vmul.f32 v34, v18;
	v24 =	vadd.f32 v37, v24  }
0xe3: {  	v45 =	vmul.f32 v35, v18;
	v46 =	vld [tilespmem:s26+$0x0];
	s0 =	sor.u32 s20, s25;
	v27 =	vadd.f32 v36, v27  }
0xe4: {  	v31 =	vmul.f32 v31, v19;
	v47 =	vld [tilespmem:s0+$0x0];
	v26 =	vadd.f32 v34, v26;
	v24 =	vadd.f32 v32, v24  }
0xe5: {  	v18 =	vadd.f32 v45, v25;
	v48 =	vmul.f32 v28, v19;
	v49 =	vadd.f32 v29, v27  }
0xe6: {  	v50 =	vmul.f32 v33, v17;
	v26 =	vadd.f32 v31, v26;
	v23 =	vadd.f32 v23, v24  }
0xe7: {  	v18 =	vadd.f32 v48, v18;
	v17 =	vmul.f32 v30, v17;
	v51 =	vadd.f32 v22, v49  }
0xe8: {  	v52 =	vmul.f32 v46, v16;
	v53 =	vadd.f32 v50, v26;
	v21 =	vadd.f32 v21, v23  }
0xe9: {  	v17 =	vadd.f32 v17, v18;
	v16 =	vmul.f32 v47, v16;
	v54 =	vadd.f32 v20, v51  }
0xea: {  	v55 =	vadd.f32 v52, v53;
	[tilespmem:$0x12600] =	vst v21  }
0xeb: {  	v16 =	vadd.f32 v16, v17;
	[tilespmem:$0x12680] =	vst v54  }
0xec: {  	[tilespmem:$0x12700] =	vst v55  }
0xed: {  	[tilespmem:$0x12780] =	vst v16  }
0xee: {  	v16 =	vld.idx.msk [tilespmem:v0+s17+$0x0], $0xffff;
	_ =	sdelay $0x1  }
0xef: {  	v17 =	vld.idx.msk [tilespmem:v1+s17+$0x0], $0xffff;
	_ =	sdelay $0x1  }
0xf0: {  	v18 =	vld.idx.msk [tilespmem:v2+s17+$0x0], $0xffff  }
0xf1: {  	v16 =	vadd.f32 $0.0e+00, v16  }
0xf2: {  	v19 =	vld.idx.msk [tilespmem:v3+s17+$0x0], $0xffff  }
0xf3: {  	v16 =	vadd.f32 v17, v16  }
0xf4: {  	v17 =	vld.idx.msk [tilespmem:v4+s17+$0x0], $0xffff  }
0xf5: {  	v16 =	vadd.f32 v18, v16  }
0xf6: {  	v56 =	vld.idx.msk [tilespmem:v5+s17+$0x0], $0xffff  }
0xf7: {  	v16 =	vadd.f32 v19, v16  }
0xf8: {  	v57 =	vld.idx.msk [tilespmem:v6+s17+$0x0], $0xffff  }
0xf9: {  	v16 =	vadd.f32 v17, v16  }
0xfa: {  	v17 =	vld.idx.msk [tilespmem:v7+s17+$0x0], $0xffff  }
0xfb: {  	v16 =	vadd.f32 v56, v16  }
0xfc: {  	v58 =	vld.idx.msk [tilespmem:v8+s17+$0x0], $0xffff  }
0xfd: {  	v16 =	vadd.f32 v57, v16  }
0xfe: {  	v59 =	vld.idx.msk [tilespmem:v9+s17+$0x0], $0xffff  }
0xff: {  	v16 =	vadd.f32 v17, v16  }
0x100: {  	v17 =	vld.idx.msk [tilespmem:v10+s17+$0x0], $0xffff  }
0x101: {  	v16 =	vadd.f32 v58, v16  }
0x102: {  	v60 =	vld.idx.msk [tilespmem:v11+s17+$0x0], $0xffff  }
0x103: {  	v16 =	vadd.f32 v59, v16  }
0x104: {  	v61 =	vld.idx.msk [tilespmem:v12+s17+$0x0], $0xffff  }
0x105: {  	v16 =	vadd.f32 v17, v16  }
0x106: {  	v17 =	vld.idx.msk [tilespmem:v13+s17+$0x0], $0xffff  }
0x107: {  	v16 =	vadd.f32 v60, v16  }
0x108: {  	v62 =	vld.idx.msk [tilespmem:v14+s17+$0x0], $0xffff  }
0x109: {  	v16 =	vadd.f32 v61, v16  }
0x10a: {  	v63 =	vld.idx.msk [tilespmem:v15+s17+$0x0], $0xffff  }
0x10b: {  	v16 =	vadd.f32 v17, v16;
	_ =	sdelay $0x1  }
0x10c: {  	v16 =	vadd.f32 v62, v16;
	_ =	sdelay $0x1  }
0x10d: {  	v16 =	vadd.f32 v63, v16  }
0x10e: {  	s19 =	sadd.s32 $0x1, s19  }
0x10f: {  	p0 =	sne.s32 s19, s9;
	v16 =	vmax.f32 v16, $9.999999970e-07  }
.Ltmp4:
0x110: {  	[tilespmem:$0x12800] =	vst v16;
	(pc) =	sbr.rel @p0 .LBB2_1-.Ltmp4, $4  }
0x111: {  	[hbm4b:s8+s2] =	stream.linear.scatter [tilespmem:s18], [sflag:$0x3], $0x10, $0x38;
	[tilespmem:$0x12880] =	vst v63  }
0x112: {  	_ =	swait.ge [sflag:s10], $0x10  }
0x113: {  	[sflag:s10] =	ssyncset.done $0x0  }
0x114: {  	[sflag:s10] =	ssyncadd.s32 $0xFFFFFFF0  }
0x115: {  	_ =	sfence.sel $0x180000  }
0x116: {  	[bflag:$0x0] =	sbarrier.arrive $0xFFFF  }
0x117: {  	_ =	strace $0x90000047  }
0x118: {  	[bflag:$0x2] =	sbarrier.arrive $0xFFFF  }
0x119: {  	p0 =	sne.s32 s1, $0x0;
	s0 =	rddreg [dreg:$0x2]  }
0x11a: {  	s0 =	sadd.s32 @!p0 $0x100000, s0  }
0x11b: {  	[sflag:s0] =	ssyncadd.tile.s32 @!p0 $0x1;
	_ =	shalt  }
.Lfunc_end2:
_tile_overlayer_lowered:
.L_overlay_start_2:
0x11c: {  	(tag) =	ssettag $0x2  }
0x11d: {  	s0 =	rddreg [dreg:$0x0];
	s2 =	stileid.u32  }
0x11e: {  	s1 =	rddreg [dreg:$0x1];
	p0 =	sne.s32 s2, $0x0  }
0x11f: {  	s3 =	rddreg [dreg:$0x2];
	[bflag:$0x3] =	sbarrier.arrive $0xFFFF;
	s2 =	simm.s32 @!p0 $0x1C03  }
0x120: {  	[timem:s3], [sflag:s2] =	dma.local @!p0 [hbm:s0], s1  }
0x121: {  	s0 =	simm.s32 @!p0 $0x3  }
0x122: {  	_ =	swait.ge @!p0 [sflag:s0], s1  }
0x123: {  	s1 =	ssub.s32 @!p0 $0x0, s1;
	[sflag:s0] =	ssyncset.done @!p0 $0x0  }
0x124: {  	[sflag:s0] =	ssyncadd.s32 @!p0 s1  }
0x125: {  	[bflag:$0x3] =	sbarrier.arrive $0xFFFF  }
0x126: {  	_ =	shalt  }

</sc_bundles>
